<compile_context>
chip_gen: v7x
topology: tpu7x:2x2x1
jax: 0.10.2.dev20260603
libtpu: 0.0.44.dev20260713+nightly
codegen_flags: <defaults>
</compile_context>

<pallas_src>
import functools

import jax
import jax.numpy as jnp
from jax import lax
from jax.experimental import pallas as pl
from jax.experimental.pallas import tpu as pltpu
from jax.experimental.pallas import tpu_sc as plsc

VOCAB = 1000000
DIM = 64
BATCH = 16384
FIELDS = 26

_INFO = plsc.get_sparse_core_info()
_NC = _INFO.num_cores
_NS = _INFO.num_subcores
_NW = _NC * _NS

_B = BATCH * FIELDS
_BPW = _B // _NW
_CHUNK = 256
_SUB = 128
_NSUB = _CHUNK // _SUB
_NITER = _BPW // _CHUNK
_NB = 4
_NGROUP = _NITER // _NB


def _make_kernel():
    mesh = plsc.VectorSubcoreMesh(core_axis_name="c", subcore_axis_name="s")

    @functools.partial(
        pl.kernel,
        mesh=mesh,
        out_type=jax.ShapeDtypeStruct((_B, DIM), jnp.float32),
        scratch_types=[
            pltpu.VMEM((_BPW,), jnp.int32),
            pltpu.VMEM((_NB, _CHUNK, DIM), jnp.float32),
        ] + [pltpu.SemaphoreType.DMA] * (2 * _NB),
        compiler_params=pltpu.CompilerParams(use_tc_tiling_on_sc=False),
    )
    def emb(x_hbm, table_hbm, out_hbm, idx_v, rows_v, *sems):
        gsems, osems = sems[:_NB], sems[_NB:]
        wid = lax.axis_index("s") * _NC + lax.axis_index("c")
        base = wid * _BPW
        pltpu.sync_copy(x_hbm.at[pl.ds(base, _BPW)], idx_v)

        def fire_gather(c, b):
            for g in range(_NSUB):
                pltpu.async_copy(
                    table_hbm.at[idx_v.at[pl.ds(c * _CHUNK + g * _SUB, _SUB)]],
                    rows_v.at[b].at[pl.ds(g * _SUB, _SUB)],
                    gsems[b],
                )

        def wait_gather(b):
            for g in range(_NSUB):
                pltpu.make_async_copy(
                    table_hbm.at[idx_v.at[pl.ds(g * _SUB, _SUB)]],
                    rows_v.at[b].at[pl.ds(g * _SUB, _SUB)],
                    gsems[b],
                ).wait()

        def wait_out(b):
            pltpu.make_async_copy(
                rows_v.at[b],
                out_hbm.at[pl.ds(base, _CHUNK)],
                osems[b],
            ).wait()

        for b in range(_NB):
            fire_gather(b, b)

        def body(j, carry):
            for b in range(_NB):
                c = j * _NB + b
                wait_gather(b)
                pltpu.async_copy(
                    rows_v.at[b],
                    out_hbm.at[pl.ds(base + c * _CHUNK, _CHUNK)],
                    osems[b],
                )
                bp = (b - 1) % _NB
                cc = c - 1 + _NB
                if b == 0:
                    @pl.when(j >= 1)
                    def _():
                        wait_out(bp)
                        fire_gather(cc, bp)
                else:
                    wait_out(bp)
                    @pl.when(j < _NGROUP - 1)
                    def _():
                        fire_gather(cc, bp)
            return carry

        lax.fori_loop(0, _NGROUP, body, 0)
        wait_out(_NB - 1)

    return emb


_EMB = _make_kernel()


def kernel(x, weight):
    out = _EMB(x.reshape(-1).astype(jnp.int32), weight)
    return out.reshape(BATCH, FIELDS, DIM)

# --- scband reference (transcript-rebuilt; emitter-appended) ---
"""Pipeline reference for scband-parallel-embedding-v3-34935263986341 (READ-ONLY COPY).

The authoritative reference and input builder live on the scoring server;
editing this copy changes nothing except your own understanding.
"""

import jax, jax.numpy as jnp
import numpy as np

VOCAB = 1000000
DIM = 64
BATCH = 16384
FIELDS = 26

def setup_inputs(seed: int = 0) -> dict:
    key = jax.random.key(seed)
    k1, k2 = jax.random.split(key)
    x = jax.random.randint(k1, (BATCH, FIELDS), 0, VOCAB, dtype=jnp.int64) if jax.config.jax_enable_x64 else jax.random.randint(k1, (BATCH, FIELDS), 0, VOCAB, dtype=jnp.int32)
    # trunc_normal init with std = 1/sqrt(dim); plain normal scaled is a faithful stand-in
    weight = jax.random.truncated_normal(k2, -2.0, 2.0, (VOCAB, DIM), dtype=jnp.float32) * (1.0 / DIM ** 0.5)
    return {"x": x, "weight": weight}

def reference(x, weight):
    # world_size == 1 path: plain embedding lookup, weight cast to cast_to (float32 -> no-op)
    w = weight.astype(jnp.float32)
    y = jnp.take(w, x, axis=0)
    return y

if __name__ == "__main__":
    import jax
    _d = setup_inputs()
    print(jax.jit(kernel)(*tuple(_d.values())))

</pallas_src>

<mosaic_0001>
#map = affine_map<(d0, d1) -> (0)>
#map1 = affine_map<(d0, d1) -> (0, 0)>
module attributes {stable_mosaic.version = 14 : i64} {
  func.func @emb(%arg0: i32, %arg1: i32, %arg2: memref<425984xi32, #tpu.memory_space<hbm>>, %arg3: memref<1000000x64xf32, #tpu.memory_space<hbm>>, %arg4: memref<425984x64xf32, #tpu.memory_space<hbm>>, %arg5: memref<13312xi32, #tpu.memory_space<vmem>>, %arg6: memref<4x256x64xf32, #tpu.memory_space<vmem>>, %arg7: memref<!tpu.dma_semaphore, #tpu.memory_space<semaphore_mem>>, %arg8: memref<!tpu.dma_semaphore, #tpu.memory_space<semaphore_mem>>, %arg9: memref<!tpu.dma_semaphore, #tpu.memory_space<semaphore_mem>>, %arg10: memref<!tpu.dma_semaphore, #tpu.memory_space<semaphore_mem>>, %arg11: memref<!tpu.dma_semaphore, #tpu.memory_space<semaphore_mem>>, %arg12: memref<!tpu.dma_semaphore, #tpu.memory_space<semaphore_mem>>, %arg13: memref<!tpu.dma_semaphore, #tpu.memory_space<semaphore_mem>>, %arg14: memref<!tpu.dma_semaphore, #tpu.memory_space<semaphore_mem>>) attributes {dimension_semantics = [#tpu.dimension_semantics<core_parallel>, #tpu.dimension_semantics<subcore_parallel>], iteration_bounds = array<i64: 2, 16>, scalar_prefetch = 0 : i64, scratch_operands = 10 : i64, tpu.core_type = #tpu.core_type<sc_vector_subcore>, window_params = [{transform_indices = #map}, {transform_indices = #map1}, {transform_indices = #map1}]} {
    %mul3A = arith.constant 2 : i32
    %mul3A_0 = arith.muli %arg1, %mul3A : i32
    %add3A = arith.addi %mul3A_0, %arg0 : i32
    %mul3A_1 = arith.constant 13312 : i32
    %mul3A_2 = arith.muli %add3A, %mul3A_1 : i32
    "tpu.region"() ({
      %run_scoped3A = tpu.sem_alloc : memref<!tpu.dma_semaphore, #tpu.memory_space<semaphore_mem>>
      %dma_start3A_123 = tpu.memref_slice %arg2[%mul3A_2] : memref<425984xi32, #tpu.memory_space<hbm>> -> memref<13312xi32, #tpu.memory_space<hbm>>
      %dma_start3A_124 = tpu.memref_slice %arg2[%mul3A_2] : memref<425984xi32, #tpu.memory_space<hbm>> -> memref<13312xi32, #tpu.memory_space<hbm>>
      tpu.enqueue_dma source(%dma_start3A_124 : memref<13312xi32, #tpu.memory_space<hbm>>) target(%arg5 : memref<13312xi32, #tpu.memory_space<vmem>>) target_semaphore(%run_scoped3A : memref<!tpu.dma_semaphore, #tpu.memory_space<semaphore_mem>>)
      %dma_wait3A_125 = tpu.memref_slice %arg2[%mul3A_2] : memref<425984xi32, #tpu.memory_space<hbm>> -> memref<13312xi32, #tpu.memory_space<hbm>>
      %dma_wait3A_126 = tpu.memref_slice %arg2[%mul3A_2] : memref<425984xi32, #tpu.memory_space<hbm>> -> memref<13312xi32, #tpu.memory_space<hbm>>
      tpu.wait_dma2 semaphore(%run_scoped3A : memref<!tpu.dma_semaphore, #tpu.memory_space<semaphore_mem>>) src(%dma_wait3A_126 : memref<13312xi32, #tpu.memory_space<hbm>>) dst(%arg5 : memref<13312xi32, #tpu.memory_space<vmem>>)
      tpu.yield
    }) : () -> ()
    %dma_start3A = arith.constant 0 : i32
    %dma_start3A_3 = arith.constant 0 : i32
    %dma_start3A_4 = arith.constant 0 : i32
    %dma_start3A_5 = tpu.memref_slice %arg6[%dma_start3A, %dma_start3A_3, %dma_start3A_4] : memref<4x256x64xf32, #tpu.memory_space<vmem>> -> memref<1x256x64xf32, #tpu.memory_space<vmem>>
    %dma_start3A_6 = tpu.memref_squeeze %dma_start3A_5 : memref<1x256x64xf32, #tpu.memory_space<vmem>> -> memref<256x64xf32, #tpu.memory_space<vmem>>
    %dma_start3A_7 = arith.constant 0 : i32
    %dma_start3A_8 = arith.constant 0 : i32
    %dma_start3A_9 = tpu.memref_slice %dma_start3A_6[%dma_start3A_7, %dma_start3A_8] : memref<256x64xf32, #tpu.memory_space<vmem>> -> memref<128x64xf32, #tpu.memory_space<vmem>>
    %dma_start3A_10 = arith.constant 0 : i32
    %dma_start3A_11 = tpu.memref_slice %arg5[%dma_start3A_10] : memref<13312xi32, #tpu.memory_space<vmem>> -> memref<128xi32, #tpu.memory_space<vmem>>
    %dma_start3A_12 = arith.constant 0 : i32
    %dma_start3A_13 = arith.constant 0 : i32
    %dma_start3A_14 = tpu.memref_slice %arg3[%dma_start3A_12, %dma_start3A_13] : memref<1000000x64xf32, #tpu.memory_space<hbm>> -> memref<1000000x64xf32, #tpu.memory_space<hbm>>
    tpu.enqueue_indirect_dma source(%dma_start3A_14 : memref<1000000x64xf32, #tpu.memory_space<hbm>>) target(%dma_start3A_9 : memref<128x64xf32, #tpu.memory_space<vmem>>) offsets(%dma_start3A_11 : memref<128xi32, #tpu.memory_space<vmem>>) semaphore(%arg7 : memref<!tpu.dma_semaphore, #tpu.memory_space<semaphore_mem>>)
    %dma_start3A_15 = arith.constant 0 : i32
    %dma_start3A_16 = arith.constant 0 : i32
    %dma_start3A_17 = arith.constant 0 : i32
    %dma_start3A_18 = tpu.memref_slice %arg6[%dma_start3A_15, %dma_start3A_16, %dma_start3A_17] : memref<4x256x64xf32, #tpu.memory_space<vmem>> -> memref<1x256x64xf32, #tpu.memory_space<vmem>>
    %dma_start3A_19 = tpu.memref_squeeze %dma_start3A_18 : memref<1x256x64xf32, #tpu.memory_space<vmem>> -> memref<256x64xf32, #tpu.memory_space<vmem>>
    %dma_start3A_20 = arith.constant 128 : i32
    %dma_start3A_21 = arith.constant 0 : i32
    %dma_start3A_22 = tpu.memref_slice %dma_start3A_19[%dma_start3A_20, %dma_start3A_21] : memref<256x64xf32, #tpu.memory_space<vmem>> -> memref<128x64xf32, #tpu.memory_space<vmem>>
    %dma_start3A_23 = arith.constant 128 : i32
    %dma_start3A_24 = tpu.memref_slice %arg5[%dma_start3A_23] : memref<13312xi32, #tpu.memory_space<vmem>> -> memref<128xi32, #tpu.memory_space<vmem>>
    %dma_start3A_25 = arith.constant 0 : i32
    %dma_start3A_26 = arith.constant 0 : i32
    %dma_start3A_27 = tpu.memref_slice %arg3[%dma_start3A_25, %dma_start3A_26] : memref<1000000x64xf32, #tpu.memory_space<hbm>> -> memref<1000000x64xf32, #tpu.memory_space<hbm>>
    tpu.enqueue_indirect_dma source(%dma_start3A_27 : memref<1000000x64xf32, #tpu.memory_space<hbm>>) target(%dma_start3A_22 : memref<128x64xf32, #tpu.memory_space<vmem>>) offsets(%dma_start3A_24 : memref<128xi32, #tpu.memory_space<vmem>>) semaphore(%arg7 : memref<!tpu.dma_semaphore, #tpu.memory_space<semaphore_mem>>)
    %dma_start3A_28 = arith.constant 1 : i32
    %dma_start3A_29 = arith.constant 0 : i32
    %dma_start3A_30 = arith.constant 0 : i32
    %dma_start3A_31 = tpu.memref_slice %arg6[%dma_start3A_28, %dma_start3A_29, %dma_start3A_30] : memref<4x256x64xf32, #tpu.memory_space<vmem>> -> memref<1x256x64xf32, #tpu.memory_space<vmem>>
    %dma_start3A_32 = tpu.memref_squeeze %dma_start3A_31 : memref<1x256x64xf32, #tpu.memory_space<vmem>> -> memref<256x64xf32, #tpu.memory_space<vmem>>
    %dma_start3A_33 = arith.constant 0 : i32
    %dma_start3A_34 = arith.constant 0 : i32
    %dma_start3A_35 = tpu.memref_slice %dma_start3A_32[%dma_start3A_33, %dma_start3A_34] : memref<256x64xf32, #tpu.memory_space<vmem>> -> memref<128x64xf32, #tpu.memory_space<vmem>>
    %dma_start3A_36 = arith.constant 256 : i32
    %dma_start3A_37 = tpu.memref_slice %arg5[%dma_start3A_36] : memref<13312xi32, #tpu.memory_space<vmem>> -> memref<128xi32, #tpu.memory_space<vmem>>
    %dma_start3A_38 = arith.constant 0 : i32
    %dma_start3A_39 = arith.constant 0 : i32
    %dma_start3A_40 = tpu.memref_slice %arg3[%dma_start3A_38, %dma_start3A_39] : memref<1000000x64xf32, #tpu.memory_space<hbm>> -> memref<1000000x64xf32, #tpu.memory_space<hbm>>
    tpu.enqueue_indirect_dma source(%dma_start3A_40 : memref<1000000x64xf32, #tpu.memory_space<hbm>>) target(%dma_start3A_35 : memref<128x64xf32, #tpu.memory_space<vmem>>) offsets(%dma_start3A_37 : memref<128xi32, #tpu.memory_space<vmem>>) semaphore(%arg8 : memref<!tpu.dma_semaphore, #tpu.memory_space<semaphore_mem>>)
    %dma_start3A_41 = arith.constant 1 : i32
    %dma_start3A_42 = arith.constant 0 : i32
    %dma_start3A_43 = arith.constant 0 : i32
    %dma_start3A_44 = tpu.memref_slice %arg6[%dma_start3A_41, %dma_start3A_42, %dma_start3A_43] : memref<4x256x64xf32, #tpu.memory_space<vmem>> -> memref<1x256x64xf32, #tpu.memory_space<vmem>>
    %dma_start3A_45 = tpu.memref_squeeze %dma_start3A_44 : memref<1x256x64xf32, #tpu.memory_space<vmem>> -> memref<256x64xf32, #tpu.memory_space<vmem>>
    %dma_start3A_46 = arith.constant 128 : i32
    %dma_start3A_47 = arith.constant 0 : i32
    %dma_start3A_48 = tpu.memref_slice %dma_start3A_45[%dma_start3A_46, %dma_start3A_47] : memref<256x64xf32, #tpu.memory_space<vmem>> -> memref<128x64xf32, #tpu.memory_space<vmem>>
    %dma_start3A_49 = arith.constant 384 : i32
    %dma_start3A_50 = tpu.memref_slice %arg5[%dma_start3A_49] : memref<13312xi32, #tpu.memory_space<vmem>> -> memref<128xi32, #tpu.memory_space<vmem>>
    %dma_start3A_51 = arith.constant 0 : i32
    %dma_start3A_52 = arith.constant 0 : i32
    %dma_start3A_53 = tpu.memref_slice %arg3[%dma_start3A_51, %dma_start3A_52] : memref<1000000x64xf32, #tpu.memory_space<hbm>> -> memref<1000000x64xf32, #tpu.memory_space<hbm>>
    tpu.enqueue_indirect_dma source(%dma_start3A_53 : memref<1000000x64xf32, #tpu.memory_space<hbm>>) target(%dma_start3A_48 : memref<128x64xf32, #tpu.memory_space<vmem>>) offsets(%dma_start3A_50 : memref<128xi32, #tpu.memory_space<vmem>>) semaphore(%arg8 : memref<!tpu.dma_semaphore, #tpu.memory_space<semaphore_mem>>)
    %dma_start3A_54 = arith.constant 2 : i32
    %dma_start3A_55 = arith.constant 0 : i32
    %dma_start3A_56 = arith.constant 0 : i32
    %dma_start3A_57 = tpu.memref_slice %arg6[%dma_start3A_54, %dma_start3A_55, %dma_start3A_56] : memref<4x256x64xf32, #tpu.memory_space<vmem>> -> memref<1x256x64xf32, #tpu.memory_space<vmem>>
    %dma_start3A_58 = tpu.memref_squeeze %dma_start3A_57 : memref<1x256x64xf32, #tpu.memory_space<vmem>> -> memref<256x64xf32, #tpu.memory_space<vmem>>
    %dma_start3A_59 = arith.constant 0 : i32
    %dma_start3A_60 = arith.constant 0 : i32
    %dma_start3A_61 = tpu.memref_slice %dma_start3A_58[%dma_start3A_59, %dma_start3A_60] : memref<256x64xf32, #tpu.memory_space<vmem>> -> memref<128x64xf32, #tpu.memory_space<vmem>>
    %dma_start3A_62 = arith.constant 512 : i32
    %dma_start3A_63 = tpu.memref_slice %arg5[%dma_start3A_62] : memref<13312xi32, #tpu.memory_space<vmem>> -> memref<128xi32, #tpu.memory_space<vmem>>
    %dma_start3A_64 = arith.constant 0 : i32
    %dma_start3A_65 = arith.constant 0 : i32
    %dma_start3A_66 = tpu.memref_slice %arg3[%dma_start3A_64, %dma_start3A_65] : memref<1000000x64xf32, #tpu.memory_space<hbm>> -> memref<1000000x64xf32, #tpu.memory_space<hbm>>
    tpu.enqueue_indirect_dma source(%dma_start3A_66 : memref<1000000x64xf32, #tpu.memory_space<hbm>>) target(%dma_start3A_61 : memref<128x64xf32, #tpu.memory_space<vmem>>) offsets(%dma_start3A_63 : memref<128xi32, #tpu.memory_space<vmem>>) semaphore(%arg9 : memref<!tpu.dma_semaphore, #tpu.memory_space<semaphore_mem>>)
    %dma_start3A_67 = arith.constant 2 : i32
    %dma_start3A_68 = arith.constant 0 : i32
    %dma_start3A_69 = arith.constant 0 : i32
    %dma_start3A_70 = tpu.memref_slice %arg6[%dma_start3A_67, %dma_start3A_68, %dma_start3A_69] : memref<4x256x64xf32, #tpu.memory_space<vmem>> -> memref<1x256x64xf32, #tpu.memory_space<vmem>>
    %dma_start3A_71 = tpu.memref_squeeze %dma_start3A_70 : memref<1x256x64xf32, #tpu.memory_space<vmem>> -> memref<256x64xf32, #tpu.memory_space<vmem>>
    %dma_start3A_72 = arith.constant 128 : i32
    %dma_start3A_73 = arith.constant 0 : i32
    %dma_start3A_74 = tpu.memref_slice %dma_start3A_71[%dma_start3A_72, %dma_start3A_73] : memref<256x64xf32, #tpu.memory_space<vmem>> -> memref<128x64xf32, #tpu.memory_space<vmem>>
    %dma_start3A_75 = arith.constant 640 : i32
    %dma_start3A_76 = tpu.memref_slice %arg5[%dma_start3A_75] : memref<13312xi32, #tpu.memory_space<vmem>> -> memref<128xi32, #tpu.memory_space<vmem>>
    %dma_start3A_77 = arith.constant 0 : i32
    %dma_start3A_78 = arith.constant 0 : i32
    %dma_start3A_79 = tpu.memref_slice %arg3[%dma_start3A_77, %dma_start3A_78] : memref<1000000x64xf32, #tpu.memory_space<hbm>> -> memref<1000000x64xf32, #tpu.memory_space<hbm>>
    tpu.enqueue_indirect_dma source(%dma_start3A_79 : memref<1000000x64xf32, #tpu.memory_space<hbm>>) target(%dma_start3A_74 : memref<128x64xf32, #tpu.memory_space<vmem>>) offsets(%dma_start3A_76 : memref<128xi32, #tpu.memory_space<vmem>>) semaphore(%arg9 : memref<!tpu.dma_semaphore, #tpu.memory_space<semaphore_mem>>)
    %dma_start3A_80 = arith.constant 3 : i32
    %dma_start3A_81 = arith.constant 0 : i32
    %dma_start3A_82 = arith.constant 0 : i32
    %dma_start3A_83 = tpu.memref_slice %arg6[%dma_start3A_80, %dma_start3A_81, %dma_start3A_82] : memref<4x256x64xf32, #tpu.memory_space<vmem>> -> memref<1x256x64xf32, #tpu.memory_space<vmem>>
    %dma_start3A_84 = tpu.memref_squeeze %dma_start3A_83 : memref<1x256x64xf32, #tpu.memory_space<vmem>> -> memref<256x64xf32, #tpu.memory_space<vmem>>
    %dma_start3A_85 = arith.constant 0 : i32
    %dma_start3A_86 = arith.constant 0 : i32
    %dma_start3A_87 = tpu.memref_slice %dma_start3A_84[%dma_start3A_85, %dma_start3A_86] : memref<256x64xf32, #tpu.memory_space<vmem>> -> memref<128x64xf32, #tpu.memory_space<vmem>>
    %dma_start3A_88 = arith.constant 768 : i32
    %dma_start3A_89 = tpu.memref_slice %arg5[%dma_start3A_88] : memref<13312xi32, #tpu.memory_space<vmem>> -> memref<128xi32, #tpu.memory_space<vmem>>
    %dma_start3A_90 = arith.constant 0 : i32
    %dma_start3A_91 = arith.constant 0 : i32
    %dma_start3A_92 = tpu.memref_slice %arg3[%dma_start3A_90, %dma_start3A_91] : memref<1000000x64xf32, #tpu.memory_space<hbm>> -> memref<1000000x64xf32, #tpu.memory_space<hbm>>
    tpu.enqueue_indirect_dma source(%dma_start3A_92 : memref<1000000x64xf32, #tpu.memory_space<hbm>>) target(%dma_start3A_87 : memref<128x64xf32, #tpu.memory_space<vmem>>) offsets(%dma_start3A_89 : memref<128xi32, #tpu.memory_space<vmem>>) semaphore(%arg10 : memref<!tpu.dma_semaphore, #tpu.memory_space<semaphore_mem>>)
    %dma_start3A_93 = arith.constant 3 : i32
    %dma_start3A_94 = arith.constant 0 : i32
    %dma_start3A_95 = arith.constant 0 : i32
    %dma_start3A_96 = tpu.memref_slice %arg6[%dma_start3A_93, %dma_start3A_94, %dma_start3A_95] : memref<4x256x64xf32, #tpu.memory_space<vmem>> -> memref<1x256x64xf32, #tpu.memory_space<vmem>>
    %dma_start3A_97 = tpu.memref_squeeze %dma_start3A_96 : memref<1x256x64xf32, #tpu.memory_space<vmem>> -> memref<256x64xf32, #tpu.memory_space<vmem>>
    %dma_start3A_98 = arith.constant 128 : i32
    %dma_start3A_99 = arith.constant 0 : i32
    %dma_start3A_100 = tpu.memref_slice %dma_start3A_97[%dma_start3A_98, %dma_start3A_99] : memref<256x64xf32, #tpu.memory_space<vmem>> -> memref<128x64xf32, #tpu.memory_space<vmem>>
    %dma_start3A_101 = arith.constant 896 : i32
    %dma_start3A_102 = tpu.memref_slice %arg5[%dma_start3A_101] : memref<13312xi32, #tpu.memory_space<vmem>> -> memref<128xi32, #tpu.memory_space<vmem>>
    %dma_start3A_103 = arith.constant 0 : i32
    %dma_start3A_104 = arith.constant 0 : i32
    %dma_start3A_105 = tpu.memref_slice %arg3[%dma_start3A_103, %dma_start3A_104] : memref<1000000x64xf32, #tpu.memory_space<hbm>> -> memref<1000000x64xf32, #tpu.memory_space<hbm>>
    tpu.enqueue_indirect_dma source(%dma_start3A_105 : memref<1000000x64xf32, #tpu.memory_space<hbm>>) target(%dma_start3A_100 : memref<128x64xf32, #tpu.memory_space<vmem>>) offsets(%dma_start3A_102 : memref<128xi32, #tpu.memory_space<vmem>>) semaphore(%arg10 : memref<!tpu.dma_semaphore, #tpu.memory_space<semaphore_mem>>)
    %scan3A = arith.constant 0 : i32
    %scan3A_106 = arith.constant 0 : i32
    %scan3A_107 = arith.constant 13 : i32
    %scan3A_108 = arith.addi %scan3A_106, %scan3A_107 : i32
    %scan3A_109 = arith.constant 1 : i32
    scf.for %scan3A_123 = %scan3A_106 to %scan3A_108 step %scan3A_109  : i32 {
      %mul3A_124 = arith.constant 4 : i32
      %mul3A_125 = arith.muli %scan3A_123, %mul3A_124 : i32
      %add3A_126 = arith.constant 0 : i32
      %add3A_127 = arith.addi %mul3A_125, %add3A_126 : i32
      %dma_wait3A_128 = arith.constant 0 : i32
      %dma_wait3A_129 = arith.constant 0 : i32
      %dma_wait3A_130 = arith.constant 0 : i32
      %dma_wait3A_131 = tpu.memref_slice %arg6[%dma_wait3A_128, %dma_wait3A_129, %dma_wait3A_130] : memref<4x256x64xf32, #tpu.memory_space<vmem>> -> memref<1x256x64xf32, #tpu.memory_space<vmem>>
      %dma_wait3A_132 = tpu.memref_squeeze %dma_wait3A_131 : memref<1x256x64xf32, #tpu.memory_space<vmem>> -> memref<256x64xf32, #tpu.memory_space<vmem>>
      %dma_wait3A_133 = arith.constant 0 : i32
      %dma_wait3A_134 = arith.constant 0 : i32
      %dma_wait3A_135 = tpu.memref_slice %dma_wait3A_132[%dma_wait3A_133, %dma_wait3A_134] : memref<256x64xf32, #tpu.memory_space<vmem>> -> memref<128x64xf32, #tpu.memory_space<vmem>>
      %dma_wait3A_136 = arith.constant 0 : i32
      %dma_wait3A_137 = tpu.memref_slice %arg5[%dma_wait3A_136] : memref<13312xi32, #tpu.memory_space<vmem>> -> memref<128xi32, #tpu.memory_space<vmem>>
      %dma_wait3A_138 = arith.constant 0 : i32
      %dma_wait3A_139 = arith.constant 0 : i32
      %dma_wait3A_140 = tpu.memref_slice %arg3[%dma_wait3A_138, %dma_wait3A_139] : memref<1000000x64xf32, #tpu.memory_space<hbm>> -> memref<1000000x64xf32, #tpu.memory_space<hbm>>
      tpu.wait_indirect_dma semaphore(%arg7 : memref<!tpu.dma_semaphore, #tpu.memory_space<semaphore_mem>>) src(%dma_wait3A_140 : memref<1000000x64xf32, #tpu.memory_space<hbm>>) dst(%dma_wait3A_135 : memref<128x64xf32, #tpu.memory_space<vmem>>)
      %dma_wait3A_141 = arith.constant 0 : i32
      %dma_wait3A_142 = arith.constant 0 : i32
      %dma_wait3A_143 = arith.constant 0 : i32
      %dma_wait3A_144 = tpu.memref_slice %arg6[%dma_wait3A_141, %dma_wait3A_142, %dma_wait3A_143] : memref<4x256x64xf32, #tpu.memory_space<vmem>> -> memref<1x256x64xf32, #tpu.memory_space<vmem>>
      %dma_wait3A_145 = tpu.memref_squeeze %dma_wait3A_144 : memref<1x256x64xf32, #tpu.memory_space<vmem>> -> memref<256x64xf32, #tpu.memory_space<vmem>>
      %dma_wait3A_146 = arith.constant 128 : i32
      %dma_wait3A_147 = arith.constant 0 : i32
      %dma_wait3A_148 = tpu.memref_slice %dma_wait3A_145[%dma_wait3A_146, %dma_wait3A_147] : memref<256x64xf32, #tpu.memory_space<vmem>> -> memref<128x64xf32, #tpu.memory_space<vmem>>
      %dma_wait3A_149 = arith.constant 128 : i32
      %dma_wait3A_150 = tpu.memref_slice %arg5[%dma_wait3A_149] : memref<13312xi32, #tpu.memory_space<vmem>> -> memref<128xi32, #tpu.memory_space<vmem>>
      %dma_wait3A_151 = arith.constant 0 : i32
      %dma_wait3A_152 = arith.constant 0 : i32
      %dma_wait3A_153 = tpu.memref_slice %arg3[%dma_wait3A_151, %dma_wait3A_152] : memref<1000000x64xf32, #tpu.memory_space<hbm>> -> memref<1000000x64xf32, #tpu.memory_space<hbm>>
      tpu.wait_indirect_dma semaphore(%arg7 : memref<!tpu.dma_semaphore, #tpu.memory_space<semaphore_mem>>) src(%dma_wait3A_153 : memref<1000000x64xf32, #tpu.memory_space<hbm>>) dst(%dma_wait3A_148 : memref<128x64xf32, #tpu.memory_space<vmem>>)
      %mul3A_154 = arith.constant 256 : i32
      %mul3A_155 = arith.muli %add3A_127, %mul3A_154 : i32
      %add3A_156 = arith.addi %mul3A_2, %mul3A_155 : i32
      %dma_start3A_157 = arith.constant 0 : i32
      %dma_start3A_158 = arith.constant 0 : i32
      %dma_start3A_159 = arith.constant 0 : i32
      %dma_start3A_160 = tpu.memref_slice %arg6[%dma_start3A_157, %dma_start3A_158, %dma_start3A_159] : memref<4x256x64xf32, #tpu.memory_space<vmem>> -> memref<1x256x64xf32, #tpu.memory_space<vmem>>
      %dma_start3A_161 = tpu.memref_squeeze %dma_start3A_160 : memref<1x256x64xf32, #tpu.memory_space<vmem>> -> memref<256x64xf32, #tpu.memory_space<vmem>>
      %dma_start3A_162 = arith.constant 0 : i32
      %dma_start3A_163 = tpu.memref_slice %arg4[%add3A_156, %dma_start3A_162] : memref<425984x64xf32, #tpu.memory_space<hbm>> -> memref<256x64xf32, #tpu.memory_space<hbm>>
      %dma_start3A_164 = arith.constant 0 : i32
      %dma_start3A_165 = tpu.memref_slice %arg4[%add3A_156, %dma_start3A_164] : memref<425984x64xf32, #tpu.memory_space<hbm>> -> memref<256x64xf32, #tpu.memory_space<hbm>>
      %dma_start3A_166 = arith.constant 0 : i32
      %dma_start3A_167 = arith.constant 0 : i32
      %dma_start3A_168 = tpu.memref_slice %arg6[%dma_start3A_157, %dma_start3A_166, %dma_start3A_167] : memref<4x256x64xf32, #tpu.memory_space<vmem>> -> memref<1x256x64xf32, #tpu.memory_space<vmem>>
      %dma_start3A_169 = tpu.memref_squeeze %dma_start3A_168 : memref<1x256x64xf32, #tpu.memory_space<vmem>> -> memref<256x64xf32, #tpu.memory_space<vmem>>
      tpu.enqueue_dma source(%dma_start3A_169 : memref<256x64xf32, #tpu.memory_space<vmem>>) target(%dma_start3A_165 : memref<256x64xf32, #tpu.memory_space<hbm>>) target_semaphore(%arg11 : memref<!tpu.dma_semaphore, #tpu.memory_space<semaphore_mem>>)
      %sub3A = arith.constant 1 : i32
      %sub3A_170 = arith.subi %add3A_127, %sub3A : i32
      %add3A_171 = arith.constant 4 : i32
      %add3A_172 = arith.addi %sub3A_170, %add3A_171 : i32
      %ge3A = arith.constant 1 : i32
      %ge3A_173 = arith.cmpi sge, %scan3A_123, %ge3A : i32
      %convert_element_type3A = arith.extui %ge3A_173 : i1 to i32
      %cond3A = arith.constant 0 : i32
      %cond3A_174 = arith.cmpi ne, %convert_element_type3A, %cond3A : i32
      scf.if %cond3A_174 {
        %dma_wait3A_378 = arith.constant 3 : i32
        %dma_wait3A_379 = arith.constant 0 : i32
        %dma_wait3A_380 = arith.constant 0 : i32
        %dma_wait3A_381 = tpu.memref_slice %arg6[%dma_wait3A_378, %dma_wait3A_379, %dma_wait3A_380] : memref<4x256x64xf32, #tpu.memory_space<vmem>> -> memref<1x256x64xf32, #tpu.memory_space<vmem>>
        %dma_wait3A_382 = tpu.memref_squeeze %dma_wait3A_381 : memref<1x256x64xf32, #tpu.memory_space<vmem>> -> memref<256x64xf32, #tpu.memory_space<vmem>>
        %dma_wait3A_383 = arith.constant 0 : i32
        %dma_wait3A_384 = tpu.memref_slice %arg4[%mul3A_2, %dma_wait3A_383] : memref<425984x64xf32, #tpu.memory_space<hbm>> -> memref<256x64xf32, #tpu.memory_space<hbm>>
        %dma_wait3A_385 = arith.constant 0 : i32
        %dma_wait3A_386 = tpu.memref_slice %arg4[%mul3A_2, %dma_wait3A_385] : memref<425984x64xf32, #tpu.memory_space<hbm>> -> memref<256x64xf32, #tpu.memory_space<hbm>>
        %dma_wait3A_387 = arith.constant 0 : i32
        %dma_wait3A_388 = arith.constant 0 : i32
        %dma_wait3A_389 = tpu.memref_slice %arg6[%dma_wait3A_378, %dma_wait3A_387, %dma_wait3A_388] : memref<4x256x64xf32, #tpu.memory_space<vmem>> -> memref<1x256x64xf32, #tpu.memory_space<vmem>>
        %dma_wait3A_390 = tpu.memref_squeeze %dma_wait3A_389 : memref<1x256x64xf32, #tpu.memory_space<vmem>> -> memref<256x64xf32, #tpu.memory_space<vmem>>
        tpu.wait_dma2 semaphore(%arg14 : memref<!tpu.dma_semaphore, #tpu.memory_space<semaphore_mem>>) src(%dma_wait3A_390 : memref<256x64xf32, #tpu.memory_space<vmem>>) dst(%dma_wait3A_386 : memref<256x64xf32, #tpu.memory_space<hbm>>)
        %mul3A_391 = arith.constant 256 : i32
        %mul3A_392 = arith.muli %add3A_172, %mul3A_391 : i32
        %add3A_393 = arith.constant 0 : i32
        %add3A_394 = arith.addi %mul3A_392, %add3A_393 : i32
        %dma_start3A_395 = arith.constant 3 : i32
        %dma_start3A_396 = arith.constant 0 : i32
        %dma_start3A_397 = arith.constant 0 : i32
        %dma_start3A_398 = tpu.memref_slice %arg6[%dma_start3A_395, %dma_start3A_396, %dma_start3A_397] : memref<4x256x64xf32, #tpu.memory_space<vmem>> -> memref<1x256x64xf32, #tpu.memory_space<vmem>>
        %dma_start3A_399 = tpu.memref_squeeze %dma_start3A_398 : memref<1x256x64xf32, #tpu.memory_space<vmem>> -> memref<256x64xf32, #tpu.memory_space<vmem>>
        %dma_start3A_400 = arith.constant 0 : i32
        %dma_start3A_401 = arith.constant 0 : i32
        %dma_start3A_402 = tpu.memref_slice %dma_start3A_399[%dma_start3A_400, %dma_start3A_401] : memref<256x64xf32, #tpu.memory_space<vmem>> -> memref<128x64xf32, #tpu.memory_space<vmem>>
        %dma_start3A_403 = tpu.memref_slice %arg5[%add3A_394] : memref<13312xi32, #tpu.memory_space<vmem>> -> memref<128xi32, #tpu.memory_space<vmem>>
        %dma_start3A_404 = arith.constant 0 : i32
        %dma_start3A_405 = arith.constant 0 : i32
        %dma_start3A_406 = tpu.memref_slice %arg3[%dma_start3A_404, %dma_start3A_405] : memref<1000000x64xf32, #tpu.memory_space<hbm>> -> memref<1000000x64xf32, #tpu.memory_space<hbm>>
        tpu.enqueue_indirect_dma source(%dma_start3A_406 : memref<1000000x64xf32, #tpu.memory_space<hbm>>) target(%dma_start3A_402 : memref<128x64xf32, #tpu.memory_space<vmem>>) offsets(%dma_start3A_403 : memref<128xi32, #tpu.memory_space<vmem>>) semaphore(%arg10 : memref<!tpu.dma_semaphore, #tpu.memory_space<semaphore_mem>>)
        %mul3A_407 = arith.constant 256 : i32
        %mul3A_408 = arith.muli %add3A_172, %mul3A_407 : i32
        %add3A_409 = arith.constant 128 : i32
        %add3A_410 = arith.addi %mul3A_408, %add3A_409 : i32
        %dma_start3A_411 = arith.constant 3 : i32
        %dma_start3A_412 = arith.constant 0 : i32
        %dma_start3A_413 = arith.constant 0 : i32
        %dma_start3A_414 = tpu.memref_slice %arg6[%dma_start3A_411, %dma_start3A_412, %dma_start3A_413] : memref<4x256x64xf32, #tpu.memory_space<vmem>> -> memref<1x256x64xf32, #tpu.memory_space<vmem>>
        %dma_start3A_415 = tpu.memref_squeeze %dma_start3A_414 : memref<1x256x64xf32, #tpu.memory_space<vmem>> -> memref<256x64xf32, #tpu.memory_space<vmem>>
        %dma_start3A_416 = arith.constant 128 : i32
        %dma_start3A_417 = arith.constant 0 : i32
        %dma_start3A_418 = tpu.memref_slice %dma_start3A_415[%dma_start3A_416, %dma_start3A_417] : memref<256x64xf32, #tpu.memory_space<vmem>> -> memref<128x64xf32, #tpu.memory_space<vmem>>
        %dma_start3A_419 = tpu.memref_slice %arg5[%add3A_410] : memref<13312xi32, #tpu.memory_space<vmem>> -> memref<128xi32, #tpu.memory_space<vmem>>
        %dma_start3A_420 = arith.constant 0 : i32
        %dma_start3A_421 = arith.constant 0 : i32
        %dma_start3A_422 = tpu.memref_slice %arg3[%dma_start3A_420, %dma_start3A_421] : memref<1000000x64xf32, #tpu.memory_space<hbm>> -> memref<1000000x64xf32, #tpu.memory_space<hbm>>
        tpu.enqueue_indirect_dma source(%dma_start3A_422 : memref<1000000x64xf32, #tpu.memory_space<hbm>>) target(%dma_start3A_418 : memref<128x64xf32, #tpu.memory_space<vmem>>) offsets(%dma_start3A_419 : memref<128xi32, #tpu.memory_space<vmem>>) semaphore(%arg10 : memref<!tpu.dma_semaphore, #tpu.memory_space<semaphore_mem>>)
      } else {
      }
      %mul3A_175 = arith.constant 4 : i32
      %mul3A_176 = arith.muli %scan3A_123, %mul3A_175 : i32
      %add3A_177 = arith.constant 1 : i32
      %add3A_178 = arith.addi %mul3A_176, %add3A_177 : i32
      %dma_wait3A_179 = arith.constant 1 : i32
      %dma_wait3A_180 = arith.constant 0 : i32
      %dma_wait3A_181 = arith.constant 0 : i32
      %dma_wait3A_182 = tpu.memref_slice %arg6[%dma_wait3A_179, %dma_wait3A_180, %dma_wait3A_181] : memref<4x256x64xf32, #tpu.memory_space<vmem>> -> memref<1x256x64xf32, #tpu.memory_space<vmem>>
      %dma_wait3A_183 = tpu.memref_squeeze %dma_wait3A_182 : memref<1x256x64xf32, #tpu.memory_space<vmem>> -> memref<256x64xf32, #tpu.memory_space<vmem>>
      %dma_wait3A_184 = arith.constant 0 : i32
      %dma_wait3A_185 = arith.constant 0 : i32
      %dma_wait3A_186 = tpu.memref_slice %dma_wait3A_183[%dma_wait3A_184, %dma_wait3A_185] : memref<256x64xf32, #tpu.memory_space<vmem>> -> memref<128x64xf32, #tpu.memory_space<vmem>>
      %dma_wait3A_187 = arith.constant 0 : i32
      %dma_wait3A_188 = tpu.memref_slice %arg5[%dma_wait3A_187] : memref<13312xi32, #tpu.memory_space<vmem>> -> memref<128xi32, #tpu.memory_space<vmem>>
      %dma_wait3A_189 = arith.constant 0 : i32
      %dma_wait3A_190 = arith.constant 0 : i32
      %dma_wait3A_191 = tpu.memref_slice %arg3[%dma_wait3A_189, %dma_wait3A_190] : memref<1000000x64xf32, #tpu.memory_space<hbm>> -> memref<1000000x64xf32, #tpu.memory_space<hbm>>
      tpu.wait_indirect_dma semaphore(%arg8 : memref<!tpu.dma_semaphore, #tpu.memory_space<semaphore_mem>>) src(%dma_wait3A_191 : memref<1000000x64xf32, #tpu.memory_space<hbm>>) dst(%dma_wait3A_186 : memref<128x64xf32, #tpu.memory_space<vmem>>)
      %dma_wait3A_192 = arith.constant 1 : i32
      %dma_wait3A_193 = arith.constant 0 : i32
      %dma_wait3A_194 = arith.constant 0 : i32
      %dma_wait3A_195 = tpu.memref_slice %arg6[%dma_wait3A_192, %dma_wait3A_193, %dma_wait3A_194] : memref<4x256x64xf32, #tpu.memory_space<vmem>> -> memref<1x256x64xf32, #tpu.memory_space<vmem>>
      %dma_wait3A_196 = tpu.memref_squeeze %dma_wait3A_195 : memref<1x256x64xf32, #tpu.memory_space<vmem>> -> memref<256x64xf32, #tpu.memory_space<vmem>>
      %dma_wait3A_197 = arith.constant 128 : i32
      %dma_wait3A_198 = arith.constant 0 : i32
      %dma_wait3A_199 = tpu.memref_slice %dma_wait3A_196[%dma_wait3A_197, %dma_wait3A_198] : memref<256x64xf32, #tpu.memory_space<vmem>> -> memref<128x64xf32, #tpu.memory_space<vmem>>
      %dma_wait3A_200 = arith.constant 128 : i32
      %dma_wait3A_201 = tpu.memref_slice %arg5[%dma_wait3A_200] : memref<13312xi32, #tpu.memory_space<vmem>> -> memref<128xi32, #tpu.memory_space<vmem>>
      %dma_wait3A_202 = arith.constant 0 : i32
      %dma_wait3A_203 = arith.constant 0 : i32
      %dma_wait3A_204 = tpu.memref_slice %arg3[%dma_wait3A_202, %dma_wait3A_203] : memref<1000000x64xf32, #tpu.memory_space<hbm>> -> memref<1000000x64xf32, #tpu.memory_space<hbm>>
      tpu.wait_indirect_dma semaphore(%arg8 : memref<!tpu.dma_semaphore, #tpu.memory_space<semaphore_mem>>) src(%dma_wait3A_204 : memref<1000000x64xf32, #tpu.memory_space<hbm>>) dst(%dma_wait3A_199 : memref<128x64xf32, #tpu.memory_space<vmem>>)
      %mul3A_205 = arith.constant 256 : i32
      %mul3A_206 = arith.muli %add3A_178, %mul3A_205 : i32
      %add3A_207 = arith.addi %mul3A_2, %mul3A_206 : i32
      %dma_start3A_208 = arith.constant 1 : i32
      %dma_start3A_209 = arith.constant 0 : i32
      %dma_start3A_210 = arith.constant 0 : i32
      %dma_start3A_211 = tpu.memref_slice %arg6[%dma_start3A_208, %dma_start3A_209, %dma_start3A_210] : memref<4x256x64xf32, #tpu.memory_space<vmem>> -> memref<1x256x64xf32, #tpu.memory_space<vmem>>
      %dma_start3A_212 = tpu.memref_squeeze %dma_start3A_211 : memref<1x256x64xf32, #tpu.memory_space<vmem>> -> memref<256x64xf32, #tpu.memory_space<vmem>>
      %dma_start3A_213 = arith.constant 0 : i32
      %dma_start3A_214 = tpu.memref_slice %arg4[%add3A_207, %dma_start3A_213] : memref<425984x64xf32, #tpu.memory_space<hbm>> -> memref<256x64xf32, #tpu.memory_space<hbm>>
      %dma_start3A_215 = arith.constant 0 : i32
      %dma_start3A_216 = tpu.memref_slice %arg4[%add3A_207, %dma_start3A_215] : memref<425984x64xf32, #tpu.memory_space<hbm>> -> memref<256x64xf32, #tpu.memory_space<hbm>>
      %dma_start3A_217 = arith.constant 0 : i32
      %dma_start3A_218 = arith.constant 0 : i32
      %dma_start3A_219 = tpu.memref_slice %arg6[%dma_start3A_208, %dma_start3A_217, %dma_start3A_218] : memref<4x256x64xf32, #tpu.memory_space<vmem>> -> memref<1x256x64xf32, #tpu.memory_space<vmem>>
      %dma_start3A_220 = tpu.memref_squeeze %dma_start3A_219 : memref<1x256x64xf32, #tpu.memory_space<vmem>> -> memref<256x64xf32, #tpu.memory_space<vmem>>
      tpu.enqueue_dma source(%dma_start3A_220 : memref<256x64xf32, #tpu.memory_space<vmem>>) target(%dma_start3A_216 : memref<256x64xf32, #tpu.memory_space<hbm>>) target_semaphore(%arg12 : memref<!tpu.dma_semaphore, #tpu.memory_space<semaphore_mem>>)
      %sub3A_221 = arith.constant 1 : i32
      %sub3A_222 = arith.subi %add3A_178, %sub3A_221 : i32
      %add3A_223 = arith.constant 4 : i32
      %add3A_224 = arith.addi %sub3A_222, %add3A_223 : i32
      %dma_wait3A_225 = arith.constant 0 : i32
      %dma_wait3A_226 = arith.constant 0 : i32
      %dma_wait3A_227 = arith.constant 0 : i32
      %dma_wait3A_228 = tpu.memref_slice %arg6[%dma_wait3A_225, %dma_wait3A_226, %dma_wait3A_227] : memref<4x256x64xf32, #tpu.memory_space<vmem>> -> memref<1x256x64xf32, #tpu.memory_space<vmem>>
      %dma_wait3A_229 = tpu.memref_squeeze %dma_wait3A_228 : memref<1x256x64xf32, #tpu.memory_space<vmem>> -> memref<256x64xf32, #tpu.memory_space<vmem>>
      %dma_wait3A_230 = arith.constant 0 : i32
      %dma_wait3A_231 = tpu.memref_slice %arg4[%mul3A_2, %dma_wait3A_230] : memref<425984x64xf32, #tpu.memory_space<hbm>> -> memref<256x64xf32, #tpu.memory_space<hbm>>
      %dma_wait3A_232 = arith.constant 0 : i32
      %dma_wait3A_233 = tpu.memref_slice %arg4[%mul3A_2, %dma_wait3A_232] : memref<425984x64xf32, #tpu.memory_space<hbm>> -> memref<256x64xf32, #tpu.memory_space<hbm>>
      %dma_wait3A_234 = arith.constant 0 : i32
      %dma_wait3A_235 = arith.constant 0 : i32
      %dma_wait3A_236 = tpu.memref_slice %arg6[%dma_wait3A_225, %dma_wait3A_234, %dma_wait3A_235] : memref<4x256x64xf32, #tpu.memory_space<vmem>> -> memref<1x256x64xf32, #tpu.memory_space<vmem>>
      %dma_wait3A_237 = tpu.memref_squeeze %dma_wait3A_236 : memref<1x256x64xf32, #tpu.memory_space<vmem>> -> memref<256x64xf32, #tpu.memory_space<vmem>>
      tpu.wait_dma2 semaphore(%arg11 : memref<!tpu.dma_semaphore, #tpu.memory_space<semaphore_mem>>) src(%dma_wait3A_237 : memref<256x64xf32, #tpu.memory_space<vmem>>) dst(%dma_wait3A_233 : memref<256x64xf32, #tpu.memory_space<hbm>>)
      %lt3A = arith.constant 12 : i32
      %lt3A_238 = arith.cmpi slt, %scan3A_123, %lt3A : i32
      %convert_element_type3A_239 = arith.extui %lt3A_238 : i1 to i32
      %cond3A_240 = arith.constant 0 : i32
      %cond3A_241 = arith.cmpi ne, %convert_element_type3A_239, %cond3A_240 : i32
      scf.if %cond3A_241 {
        %mul3A_378 = arith.constant 256 : i32
        %mul3A_379 = arith.muli %add3A_224, %mul3A_378 : i32
        %add3A_380 = arith.constant 0 : i32
        %add3A_381 = arith.addi %mul3A_379, %add3A_380 : i32
        %dma_start3A_382 = arith.constant 0 : i32
        %dma_start3A_383 = arith.constant 0 : i32
        %dma_start3A_384 = arith.constant 0 : i32
        %dma_start3A_385 = tpu.memref_slice %arg6[%dma_start3A_382, %dma_start3A_383, %dma_start3A_384] : memref<4x256x64xf32, #tpu.memory_space<vmem>> -> memref<1x256x64xf32, #tpu.memory_space<vmem>>
        %dma_start3A_386 = tpu.memref_squeeze %dma_start3A_385 : memref<1x256x64xf32, #tpu.memory_space<vmem>> -> memref<256x64xf32, #tpu.memory_space<vmem>>
        %dma_start3A_387 = arith.constant 0 : i32
        %dma_start3A_388 = arith.constant 0 : i32
        %dma_start3A_389 = tpu.memref_slice %dma_start3A_386[%dma_start3A_387, %dma_start3A_388] : memref<256x64xf32, #tpu.memory_space<vmem>> -> memref<128x64xf32, #tpu.memory_space<vmem>>
        %dma_start3A_390 = tpu.memref_slice %arg5[%add3A_381] : memref<13312xi32, #tpu.memory_space<vmem>> -> memref<128xi32, #tpu.memory_space<vmem>>
        %dma_start3A_391 = arith.constant 0 : i32
        %dma_start3A_392 = arith.constant 0 : i32
        %dma_start3A_393 = tpu.memref_slice %arg3[%dma_start3A_391, %dma_start3A_392] : memref<1000000x64xf32, #tpu.memory_space<hbm>> -> memref<1000000x64xf32, #tpu.memory_space<hbm>>
        tpu.enqueue_indirect_dma source(%dma_start3A_393 : memref<1000000x64xf32, #tpu.memory_space<hbm>>) target(%dma_start3A_389 : memref<128x64xf32, #tpu.memory_space<vmem>>) offsets(%dma_start3A_390 : memref<128xi32, #tpu.memory_space<vmem>>) semaphore(%arg7 : memref<!tpu.dma_semaphore, #tpu.memory_space<semaphore_mem>>)
        %mul3A_394 = arith.constant 256 : i32
        %mul3A_395 = arith.muli %add3A_224, %mul3A_394 : i32
        %add3A_396 = arith.constant 128 : i32
        %add3A_397 = arith.addi %mul3A_395, %add3A_396 : i32
        %dma_start3A_398 = arith.constant 0 : i32
        %dma_start3A_399 = arith.constant 0 : i32
        %dma_start3A_400 = arith.constant 0 : i32
        %dma_start3A_401 = tpu.memref_slice %arg6[%dma_start3A_398, %dma_start3A_399, %dma_start3A_400] : memref<4x256x64xf32, #tpu.memory_space<vmem>> -> memref<1x256x64xf32, #tpu.memory_space<vmem>>
        %dma_start3A_402 = tpu.memref_squeeze %dma_start3A_401 : memref<1x256x64xf32, #tpu.memory_space<vmem>> -> memref<256x64xf32, #tpu.memory_space<vmem>>
        %dma_start3A_403 = arith.constant 128 : i32
        %dma_start3A_404 = arith.constant 0 : i32
        %dma_start3A_405 = tpu.memref_slice %dma_start3A_402[%dma_start3A_403, %dma_start3A_404] : memref<256x64xf32, #tpu.memory_space<vmem>> -> memref<128x64xf32, #tpu.memory_space<vmem>>
        %dma_start3A_406 = tpu.memref_slice %arg5[%add3A_397] : memref<13312xi32, #tpu.memory_space<vmem>> -> memref<128xi32, #tpu.memory_space<vmem>>
        %dma_start3A_407 = arith.constant 0 : i32
        %dma_start3A_408 = arith.constant 0 : i32
        %dma_start3A_409 = tpu.memref_slice %arg3[%dma_start3A_407, %dma_start3A_408] : memref<1000000x64xf32, #tpu.memory_space<hbm>> -> memref<1000000x64xf32, #tpu.memory_space<hbm>>
        tpu.enqueue_indirect_dma source(%dma_start3A_409 : memref<1000000x64xf32, #tpu.memory_space<hbm>>) target(%dma_start3A_405 : memref<128x64xf32, #tpu.memory_space<vmem>>) offsets(%dma_start3A_406 : memref<128xi32, #tpu.memory_space<vmem>>) semaphore(%arg7 : memref<!tpu.dma_semaphore, #tpu.memory_space<semaphore_mem>>)
      } else {
      }
      %mul3A_242 = arith.constant 4 : i32
      %mul3A_243 = arith.muli %scan3A_123, %mul3A_242 : i32
      %add3A_244 = arith.constant 2 : i32
      %add3A_245 = arith.addi %mul3A_243, %add3A_244 : i32
      %dma_wait3A_246 = arith.constant 2 : i32
      %dma_wait3A_247 = arith.constant 0 : i32
      %dma_wait3A_248 = arith.constant 0 : i32
      %dma_wait3A_249 = tpu.memref_slice %arg6[%dma_wait3A_246, %dma_wait3A_247, %dma_wait3A_248] : memref<4x256x64xf32, #tpu.memory_space<vmem>> -> memref<1x256x64xf32, #tpu.memory_space<vmem>>
      %dma_wait3A_250 = tpu.memref_squeeze %dma_wait3A_249 : memref<1x256x64xf32, #tpu.memory_space<vmem>> -> memref<256x64xf32, #tpu.memory_space<vmem>>
      %dma_wait3A_251 = arith.constant 0 : i32
      %dma_wait3A_252 = arith.constant 0 : i32
      %dma_wait3A_253 = tpu.memref_slice %dma_wait3A_250[%dma_wait3A_251, %dma_wait3A_252] : memref<256x64xf32, #tpu.memory_space<vmem>> -> memref<128x64xf32, #tpu.memory_space<vmem>>
      %dma_wait3A_254 = arith.constant 0 : i32
      %dma_wait3A_255 = tpu.memref_slice %arg5[%dma_wait3A_254] : memref<13312xi32, #tpu.memory_space<vmem>> -> memref<128xi32, #tpu.memory_space<vmem>>
      %dma_wait3A_256 = arith.constant 0 : i32
      %dma_wait3A_257 = arith.constant 0 : i32
      %dma_wait3A_258 = tpu.memref_slice %arg3[%dma_wait3A_256, %dma_wait3A_257] : memref<1000000x64xf32, #tpu.memory_space<hbm>> -> memref<1000000x64xf32, #tpu.memory_space<hbm>>
      tpu.wait_indirect_dma semaphore(%arg9 : memref<!tpu.dma_semaphore, #tpu.memory_space<semaphore_mem>>) src(%dma_wait3A_258 : memref<1000000x64xf32, #tpu.memory_space<hbm>>) dst(%dma_wait3A_253 : memref<128x64xf32, #tpu.memory_space<vmem>>)
      %dma_wait3A_259 = arith.constant 2 : i32
      %dma_wait3A_260 = arith.constant 0 : i32
      %dma_wait3A_261 = arith.constant 0 : i32
      %dma_wait3A_262 = tpu.memref_slice %arg6[%dma_wait3A_259, %dma_wait3A_260, %dma_wait3A_261] : memref<4x256x64xf32, #tpu.memory_space<vmem>> -> memref<1x256x64xf32, #tpu.memory_space<vmem>>
      %dma_wait3A_263 = tpu.memref_squeeze %dma_wait3A_262 : memref<1x256x64xf32, #tpu.memory_space<vmem>> -> memref<256x64xf32, #tpu.memory_space<vmem>>
      %dma_wait3A_264 = arith.constant 128 : i32
      %dma_wait3A_265 = arith.constant 0 : i32
      %dma_wait3A_266 = tpu.memref_slice %dma_wait3A_263[%dma_wait3A_264, %dma_wait3A_265] : memref<256x64xf32, #tpu.memory_space<vmem>> -> memref<128x64xf32, #tpu.memory_space<vmem>>
      %dma_wait3A_267 = arith.constant 128 : i32
      %dma_wait3A_268 = tpu.memref_slice %arg5[%dma_wait3A_267] : memref<13312xi32, #tpu.memory_space<vmem>> -> memref<128xi32, #tpu.memory_space<vmem>>
      %dma_wait3A_269 = arith.constant 0 : i32
      %dma_wait3A_270 = arith.constant 0 : i32
      %dma_wait3A_271 = tpu.memref_slice %arg3[%dma_wait3A_269, %dma_wait3A_270] : memref<1000000x64xf32, #tpu.memory_space<hbm>> -> memref<1000000x64xf32, #tpu.memory_space<hbm>>
      tpu.wait_indirect_dma semaphore(%arg9 : memref<!tpu.dma_semaphore, #tpu.memory_space<semaphore_mem>>) src(%dma_wait3A_271 : memref<1000000x64xf32, #tpu.memory_space<hbm>>) dst(%dma_wait3A_266 : memref<128x64xf32, #tpu.memory_space<vmem>>)
      %mul3A_272 = arith.constant 256 : i32
      %mul3A_273 = arith.muli %add3A_245, %mul3A_272 : i32
      %add3A_274 = arith.addi %mul3A_2, %mul3A_273 : i32
      %dma_start3A_275 = arith.constant 2 : i32
      %dma_start3A_276 = arith.constant 0 : i32
      %dma_start3A_277 = arith.constant 0 : i32
      %dma_start3A_278 = tpu.memref_slice %arg6[%dma_start3A_275, %dma_start3A_276, %dma_start3A_277] : memref<4x256x64xf32, #tpu.memory_space<vmem>> -> memref<1x256x64xf32, #tpu.memory_space<vmem>>
      %dma_start3A_279 = tpu.memref_squeeze %dma_start3A_278 : memref<1x256x64xf32, #tpu.memory_space<vmem>> -> memref<256x64xf32, #tpu.memory_space<vmem>>
      %dma_start3A_280 = arith.constant 0 : i32
      %dma_start3A_281 = tpu.memref_slice %arg4[%add3A_274, %dma_start3A_280] : memref<425984x64xf32, #tpu.memory_space<hbm>> -> memref<256x64xf32, #tpu.memory_space<hbm>>
      %dma_start3A_282 = arith.constant 0 : i32
      %dma_start3A_283 = tpu.memref_slice %arg4[%add3A_274, %dma_start3A_282] : memref<425984x64xf32, #tpu.memory_space<hbm>> -> memref<256x64xf32, #tpu.memory_space<hbm>>
      %dma_start3A_284 = arith.constant 0 : i32
      %dma_start3A_285 = arith.constant 0 : i32
      %dma_start3A_286 = tpu.memref_slice %arg6[%dma_start3A_275, %dma_start3A_284, %dma_start3A_285] : memref<4x256x64xf32, #tpu.memory_space<vmem>> -> memref<1x256x64xf32, #tpu.memory_space<vmem>>
      %dma_start3A_287 = tpu.memref_squeeze %dma_start3A_286 : memref<1x256x64xf32, #tpu.memory_space<vmem>> -> memref<256x64xf32, #tpu.memory_space<vmem>>
      tpu.enqueue_dma source(%dma_start3A_287 : memref<256x64xf32, #tpu.memory_space<vmem>>) target(%dma_start3A_283 : memref<256x64xf32, #tpu.memory_space<hbm>>) target_semaphore(%arg13 : memref<!tpu.dma_semaphore, #tpu.memory_space<semaphore_mem>>)
      %sub3A_288 = arith.constant 1 : i32
      %sub3A_289 = arith.subi %add3A_245, %sub3A_288 : i32
      %add3A_290 = arith.constant 4 : i32
      %add3A_291 = arith.addi %sub3A_289, %add3A_290 : i32
      %dma_wait3A_292 = arith.constant 1 : i32
      %dma_wait3A_293 = arith.constant 0 : i32
      %dma_wait3A_294 = arith.constant 0 : i32
      %dma_wait3A_295 = tpu.memref_slice %arg6[%dma_wait3A_292, %dma_wait3A_293, %dma_wait3A_294] : memref<4x256x64xf32, #tpu.memory_space<vmem>> -> memref<1x256x64xf32, #tpu.memory_space<vmem>>
      %dma_wait3A_296 = tpu.memref_squeeze %dma_wait3A_295 : memref<1x256x64xf32, #tpu.memory_space<vmem>> -> memref<256x64xf32, #tpu.memory_space<vmem>>
      %dma_wait3A_297 = arith.constant 0 : i32
      %dma_wait3A_298 = tpu.memref_slice %arg4[%mul3A_2, %dma_wait3A_297] : memref<425984x64xf32, #tpu.memory_space<hbm>> -> memref<256x64xf32, #tpu.memory_space<hbm>>
      %dma_wait3A_299 = arith.constant 0 : i32
      %dma_wait3A_300 = tpu.memref_slice %arg4[%mul3A_2, %dma_wait3A_299] : memref<425984x64xf32, #tpu.memory_space<hbm>> -> memref<256x64xf32, #tpu.memory_space<hbm>>
      %dma_wait3A_301 = arith.constant 0 : i32
      %dma_wait3A_302 = arith.constant 0 : i32
      %dma_wait3A_303 = tpu.memref_slice %arg6[%dma_wait3A_292, %dma_wait3A_301, %dma_wait3A_302] : memref<4x256x64xf32, #tpu.memory_space<vmem>> -> memref<1x256x64xf32, #tpu.memory_space<vmem>>
      %dma_wait3A_304 = tpu.memref_squeeze %dma_wait3A_303 : memref<1x256x64xf32, #tpu.memory_space<vmem>> -> memref<256x64xf32, #tpu.memory_space<vmem>>
      tpu.wait_dma2 semaphore(%arg12 : memref<!tpu.dma_semaphore, #tpu.memory_space<semaphore_mem>>) src(%dma_wait3A_304 : memref<256x64xf32, #tpu.memory_space<vmem>>) dst(%dma_wait3A_300 : memref<256x64xf32, #tpu.memory_space<hbm>>)
      %lt3A_305 = arith.constant 12 : i32
      %lt3A_306 = arith.cmpi slt, %scan3A_123, %lt3A_305 : i32
      %convert_element_type3A_307 = arith.extui %lt3A_306 : i1 to i32
      %cond3A_308 = arith.constant 0 : i32
      %cond3A_309 = arith.cmpi ne, %convert_element_type3A_307, %cond3A_308 : i32
      scf.if %cond3A_309 {
        %mul3A_378 = arith.constant 256 : i32
        %mul3A_379 = arith.muli %add3A_291, %mul3A_378 : i32
        %add3A_380 = arith.constant 0 : i32
        %add3A_381 = arith.addi %mul3A_379, %add3A_380 : i32
        %dma_start3A_382 = arith.constant 1 : i32
        %dma_start3A_383 = arith.constant 0 : i32
        %dma_start3A_384 = arith.constant 0 : i32
        %dma_start3A_385 = tpu.memref_slice %arg6[%dma_start3A_382, %dma_start3A_383, %dma_start3A_384] : memref<4x256x64xf32, #tpu.memory_space<vmem>> -> memref<1x256x64xf32, #tpu.memory_space<vmem>>
        %dma_start3A_386 = tpu.memref_squeeze %dma_start3A_385 : memref<1x256x64xf32, #tpu.memory_space<vmem>> -> memref<256x64xf32, #tpu.memory_space<vmem>>
        %dma_start3A_387 = arith.constant 0 : i32
        %dma_start3A_388 = arith.constant 0 : i32
        %dma_start3A_389 = tpu.memref_slice %dma_start3A_386[%dma_start3A_387, %dma_start3A_388] : memref<256x64xf32, #tpu.memory_space<vmem>> -> memref<128x64xf32, #tpu.memory_space<vmem>>
        %dma_start3A_390 = tpu.memref_slice %arg5[%add3A_381] : memref<13312xi32, #tpu.memory_space<vmem>> -> memref<128xi32, #tpu.memory_space<vmem>>
        %dma_start3A_391 = arith.constant 0 : i32
        %dma_start3A_392 = arith.constant 0 : i32
        %dma_start3A_393 = tpu.memref_slice %arg3[%dma_start3A_391, %dma_start3A_392] : memref<1000000x64xf32, #tpu.memory_space<hbm>> -> memref<1000000x64xf32, #tpu.memory_space<hbm>>
        tpu.enqueue_indirect_dma source(%dma_start3A_393 : memref<1000000x64xf32, #tpu.memory_space<hbm>>) target(%dma_start3A_389 : memref<128x64xf32, #tpu.memory_space<vmem>>) offsets(%dma_start3A_390 : memref<128xi32, #tpu.memory_space<vmem>>) semaphore(%arg8 : memref<!tpu.dma_semaphore, #tpu.memory_space<semaphore_mem>>)
        %mul3A_394 = arith.constant 256 : i32
        %mul3A_395 = arith.muli %add3A_291, %mul3A_394 : i32
        %add3A_396 = arith.constant 128 : i32
        %add3A_397 = arith.addi %mul3A_395, %add3A_396 : i32
        %dma_start3A_398 = arith.constant 1 : i32
        %dma_start3A_399 = arith.constant 0 : i32
        %dma_start3A_400 = arith.constant 0 : i32
        %dma_start3A_401 = tpu.memref_slice %arg6[%dma_start3A_398, %dma_start3A_399, %dma_start3A_400] : memref<4x256x64xf32, #tpu.memory_space<vmem>> -> memref<1x256x64xf32, #tpu.memory_space<vmem>>
        %dma_start3A_402 = tpu.memref_squeeze %dma_start3A_401 : memref<1x256x64xf32, #tpu.memory_space<vmem>> -> memref<256x64xf32, #tpu.memory_space<vmem>>
        %dma_start3A_403 = arith.constant 128 : i32
        %dma_start3A_404 = arith.constant 0 : i32
        %dma_start3A_405 = tpu.memref_slice %dma_start3A_402[%dma_start3A_403, %dma_start3A_404] : memref<256x64xf32, #tpu.memory_space<vmem>> -> memref<128x64xf32, #tpu.memory_space<vmem>>
        %dma_start3A_406 = tpu.memref_slice %arg5[%add3A_397] : memref<13312xi32, #tpu.memory_space<vmem>> -> memref<128xi32, #tpu.memory_space<vmem>>
        %dma_start3A_407 = arith.constant 0 : i32
        %dma_start3A_408 = arith.constant 0 : i32
        %dma_start3A_409 = tpu.memref_slice %arg3[%dma_start3A_407, %dma_start3A_408] : memref<1000000x64xf32, #tpu.memory_space<hbm>> -> memref<1000000x64xf32, #tpu.memory_space<hbm>>
        tpu.enqueue_indirect_dma source(%dma_start3A_409 : memref<1000000x64xf32, #tpu.memory_space<hbm>>) target(%dma_start3A_405 : memref<128x64xf32, #tpu.memory_space<vmem>>) offsets(%dma_start3A_406 : memref<128xi32, #tpu.memory_space<vmem>>) semaphore(%arg8 : memref<!tpu.dma_semaphore, #tpu.memory_space<semaphore_mem>>)
      } else {
      }
      %mul3A_310 = arith.constant 4 : i32
      %mul3A_311 = arith.muli %scan3A_123, %mul3A_310 : i32
      %add3A_312 = arith.constant 3 : i32
      %add3A_313 = arith.addi %mul3A_311, %add3A_312 : i32
      %dma_wait3A_314 = arith.constant 3 : i32
      %dma_wait3A_315 = arith.constant 0 : i32
      %dma_wait3A_316 = arith.constant 0 : i32
      %dma_wait3A_317 = tpu.memref_slice %arg6[%dma_wait3A_314, %dma_wait3A_315, %dma_wait3A_316] : memref<4x256x64xf32, #tpu.memory_space<vmem>> -> memref<1x256x64xf32, #tpu.memory_space<vmem>>
      %dma_wait3A_318 = tpu.memref_squeeze %dma_wait3A_317 : memref<1x256x64xf32, #tpu.memory_space<vmem>> -> memref<256x64xf32, #tpu.memory_space<vmem>>
      %dma_wait3A_319 = arith.constant 0 : i32
      %dma_wait3A_320 = arith.constant 0 : i32
      %dma_wait3A_321 = tpu.memref_slice %dma_wait3A_318[%dma_wait3A_319, %dma_wait3A_320] : memref<256x64xf32, #tpu.memory_space<vmem>> -> memref<128x64xf32, #tpu.memory_space<vmem>>
      %dma_wait3A_322 = arith.constant 0 : i32
      %dma_wait3A_323 = tpu.memref_slice %arg5[%dma_wait3A_322] : memref<13312xi32, #tpu.memory_space<vmem>> -> memref<128xi32, #tpu.memory_space<vmem>>
      %dma_wait3A_324 = arith.constant 0 : i32
      %dma_wait3A_325 = arith.constant 0 : i32
      %dma_wait3A_326 = tpu.memref_slice %arg3[%dma_wait3A_324, %dma_wait3A_325] : memref<1000000x64xf32, #tpu.memory_space<hbm>> -> memref<1000000x64xf32, #tpu.memory_space<hbm>>
      tpu.wait_indirect_dma semaphore(%arg10 : memref<!tpu.dma_semaphore, #tpu.memory_space<semaphore_mem>>) src(%dma_wait3A_326 : memref<1000000x64xf32, #tpu.memory_space<hbm>>) dst(%dma_wait3A_321 : memref<128x64xf32, #tpu.memory_space<vmem>>)
      %dma_wait3A_327 = arith.constant 3 : i32
      %dma_wait3A_328 = arith.constant 0 : i32
      %dma_wait3A_329 = arith.constant 0 : i32
      %dma_wait3A_330 = tpu.memref_slice %arg6[%dma_wait3A_327, %dma_wait3A_328, %dma_wait3A_329] : memref<4x256x64xf32, #tpu.memory_space<vmem>> -> memref<1x256x64xf32, #tpu.memory_space<vmem>>
      %dma_wait3A_331 = tpu.memref_squeeze %dma_wait3A_330 : memref<1x256x64xf32, #tpu.memory_space<vmem>> -> memref<256x64xf32, #tpu.memory_space<vmem>>
      %dma_wait3A_332 = arith.constant 128 : i32
      %dma_wait3A_333 = arith.constant 0 : i32
      %dma_wait3A_334 = tpu.memref_slice %dma_wait3A_331[%dma_wait3A_332, %dma_wait3A_333] : memref<256x64xf32, #tpu.memory_space<vmem>> -> memref<128x64xf32, #tpu.memory_space<vmem>>
      %dma_wait3A_335 = arith.constant 128 : i32
      %dma_wait3A_336 = tpu.memref_slice %arg5[%dma_wait3A_335] : memref<13312xi32, #tpu.memory_space<vmem>> -> memref<128xi32, #tpu.memory_space<vmem>>
      %dma_wait3A_337 = arith.constant 0 : i32
      %dma_wait3A_338 = arith.constant 0 : i32
      %dma_wait3A_339 = tpu.memref_slice %arg3[%dma_wait3A_337, %dma_wait3A_338] : memref<1000000x64xf32, #tpu.memory_space<hbm>> -> memref<1000000x64xf32, #tpu.memory_space<hbm>>
      tpu.wait_indirect_dma semaphore(%arg10 : memref<!tpu.dma_semaphore, #tpu.memory_space<semaphore_mem>>) src(%dma_wait3A_339 : memref<1000000x64xf32, #tpu.memory_space<hbm>>) dst(%dma_wait3A_334 : memref<128x64xf32, #tpu.memory_space<vmem>>)
      %mul3A_340 = arith.constant 256 : i32
      %mul3A_341 = arith.muli %add3A_313, %mul3A_340 : i32
      %add3A_342 = arith.addi %mul3A_2, %mul3A_341 : i32
      %dma_start3A_343 = arith.constant 3 : i32
      %dma_start3A_344 = arith.constant 0 : i32
      %dma_start3A_345 = arith.constant 0 : i32
      %dma_start3A_346 = tpu.memref_slice %arg6[%dma_start3A_343, %dma_start3A_344, %dma_start3A_345] : memref<4x256x64xf32, #tpu.memory_space<vmem>> -> memref<1x256x64xf32, #tpu.memory_space<vmem>>
      %dma_start3A_347 = tpu.memref_squeeze %dma_start3A_346 : memref<1x256x64xf32, #tpu.memory_space<vmem>> -> memref<256x64xf32, #tpu.memory_space<vmem>>
      %dma_start3A_348 = arith.constant 0 : i32
      %dma_start3A_349 = tpu.memref_slice %arg4[%add3A_342, %dma_start3A_348] : memref<425984x64xf32, #tpu.memory_space<hbm>> -> memref<256x64xf32, #tpu.memory_space<hbm>>
      %dma_start3A_350 = arith.constant 0 : i32
      %dma_start3A_351 = tpu.memref_slice %arg4[%add3A_342, %dma_start3A_350] : memref<425984x64xf32, #tpu.memory_space<hbm>> -> memref<256x64xf32, #tpu.memory_space<hbm>>
      %dma_start3A_352 = arith.constant 0 : i32
      %dma_start3A_353 = arith.constant 0 : i32
      %dma_start3A_354 = tpu.memref_slice %arg6[%dma_start3A_343, %dma_start3A_352, %dma_start3A_353] : memref<4x256x64xf32, #tpu.memory_space<vmem>> -> memref<1x256x64xf32, #tpu.memory_space<vmem>>
      %dma_start3A_355 = tpu.memref_squeeze %dma_start3A_354 : memref<1x256x64xf32, #tpu.memory_space<vmem>> -> memref<256x64xf32, #tpu.memory_space<vmem>>
      tpu.enqueue_dma source(%dma_start3A_355 : memref<256x64xf32, #tpu.memory_space<vmem>>) target(%dma_start3A_351 : memref<256x64xf32, #tpu.memory_space<hbm>>) target_semaphore(%arg14 : memref<!tpu.dma_semaphore, #tpu.memory_space<semaphore_mem>>)
      %sub3A_356 = arith.constant 1 : i32
      %sub3A_357 = arith.subi %add3A_313, %sub3A_356 : i32
      %add3A_358 = arith.constant 4 : i32
      %add3A_359 = arith.addi %sub3A_357, %add3A_358 : i32
      %dma_wait3A_360 = arith.constant 2 : i32
      %dma_wait3A_361 = arith.constant 0 : i32
      %dma_wait3A_362 = arith.constant 0 : i32
      %dma_wait3A_363 = tpu.memref_slice %arg6[%dma_wait3A_360, %dma_wait3A_361, %dma_wait3A_362] : memref<4x256x64xf32, #tpu.memory_space<vmem>> -> memref<1x256x64xf32, #tpu.memory_space<vmem>>
      %dma_wait3A_364 = tpu.memref_squeeze %dma_wait3A_363 : memref<1x256x64xf32, #tpu.memory_space<vmem>> -> memref<256x64xf32, #tpu.memory_space<vmem>>
      %dma_wait3A_365 = arith.constant 0 : i32
      %dma_wait3A_366 = tpu.memref_slice %arg4[%mul3A_2, %dma_wait3A_365] : memref<425984x64xf32, #tpu.memory_space<hbm>> -> memref<256x64xf32, #tpu.memory_space<hbm>>
      %dma_wait3A_367 = arith.constant 0 : i32
      %dma_wait3A_368 = tpu.memref_slice %arg4[%mul3A_2, %dma_wait3A_367] : memref<425984x64xf32, #tpu.memory_space<hbm>> -> memref<256x64xf32, #tpu.memory_space<hbm>>
      %dma_wait3A_369 = arith.constant 0 : i32
      %dma_wait3A_370 = arith.constant 0 : i32
      %dma_wait3A_371 = tpu.memref_slice %arg6[%dma_wait3A_360, %dma_wait3A_369, %dma_wait3A_370] : memref<4x256x64xf32, #tpu.memory_space<vmem>> -> memref<1x256x64xf32, #tpu.memory_space<vmem>>
      %dma_wait3A_372 = tpu.memref_squeeze %dma_wait3A_371 : memref<1x256x64xf32, #tpu.memory_space<vmem>> -> memref<256x64xf32, #tpu.memory_space<vmem>>
      tpu.wait_dma2 semaphore(%arg13 : memref<!tpu.dma_semaphore, #tpu.memory_space<semaphore_mem>>) src(%dma_wait3A_372 : memref<256x64xf32, #tpu.memory_space<vmem>>) dst(%dma_wait3A_368 : memref<256x64xf32, #tpu.memory_space<hbm>>)
      %lt3A_373 = arith.constant 12 : i32
      %lt3A_374 = arith.cmpi slt, %scan3A_123, %lt3A_373 : i32
      %convert_element_type3A_375 = arith.extui %lt3A_374 : i1 to i32
      %cond3A_376 = arith.constant 0 : i32
      %cond3A_377 = arith.cmpi ne, %convert_element_type3A_375, %cond3A_376 : i32
      scf.if %cond3A_377 {
        %mul3A_378 = arith.constant 256 : i32
        %mul3A_379 = arith.muli %add3A_359, %mul3A_378 : i32
        %add3A_380 = arith.constant 0 : i32
        %add3A_381 = arith.addi %mul3A_379, %add3A_380 : i32
        %dma_start3A_382 = arith.constant 2 : i32
        %dma_start3A_383 = arith.constant 0 : i32
        %dma_start3A_384 = arith.constant 0 : i32
        %dma_start3A_385 = tpu.memref_slice %arg6[%dma_start3A_382, %dma_start3A_383, %dma_start3A_384] : memref<4x256x64xf32, #tpu.memory_space<vmem>> -> memref<1x256x64xf32, #tpu.memory_space<vmem>>
        %dma_start3A_386 = tpu.memref_squeeze %dma_start3A_385 : memref<1x256x64xf32, #tpu.memory_space<vmem>> -> memref<256x64xf32, #tpu.memory_space<vmem>>
        %dma_start3A_387 = arith.constant 0 : i32
        %dma_start3A_388 = arith.constant 0 : i32
        %dma_start3A_389 = tpu.memref_slice %dma_start3A_386[%dma_start3A_387, %dma_start3A_388] : memref<256x64xf32, #tpu.memory_space<vmem>> -> memref<128x64xf32, #tpu.memory_space<vmem>>
        %dma_start3A_390 = tpu.memref_slice %arg5[%add3A_381] : memref<13312xi32, #tpu.memory_space<vmem>> -> memref<128xi32, #tpu.memory_space<vmem>>
        %dma_start3A_391 = arith.constant 0 : i32
        %dma_start3A_392 = arith.constant 0 : i32
        %dma_start3A_393 = tpu.memref_slice %arg3[%dma_start3A_391, %dma_start3A_392] : memref<1000000x64xf32, #tpu.memory_space<hbm>> -> memref<1000000x64xf32, #tpu.memory_space<hbm>>
        tpu.enqueue_indirect_dma source(%dma_start3A_393 : memref<1000000x64xf32, #tpu.memory_space<hbm>>) target(%dma_start3A_389 : memref<128x64xf32, #tpu.memory_space<vmem>>) offsets(%dma_start3A_390 : memref<128xi32, #tpu.memory_space<vmem>>) semaphore(%arg9 : memref<!tpu.dma_semaphore, #tpu.memory_space<semaphore_mem>>)
        %mul3A_394 = arith.constant 256 : i32
        %mul3A_395 = arith.muli %add3A_359, %mul3A_394 : i32
        %add3A_396 = arith.constant 128 : i32
        %add3A_397 = arith.addi %mul3A_395, %add3A_396 : i32
        %dma_start3A_398 = arith.constant 2 : i32
        %dma_start3A_399 = arith.constant 0 : i32
        %dma_start3A_400 = arith.constant 0 : i32
        %dma_start3A_401 = tpu.memref_slice %arg6[%dma_start3A_398, %dma_start3A_399, %dma_start3A_400] : memref<4x256x64xf32, #tpu.memory_space<vmem>> -> memref<1x256x64xf32, #tpu.memory_space<vmem>>
        %dma_start3A_402 = tpu.memref_squeeze %dma_start3A_401 : memref<1x256x64xf32, #tpu.memory_space<vmem>> -> memref<256x64xf32, #tpu.memory_space<vmem>>
        %dma_start3A_403 = arith.constant 128 : i32
        %dma_start3A_404 = arith.constant 0 : i32
        %dma_start3A_405 = tpu.memref_slice %dma_start3A_402[%dma_start3A_403, %dma_start3A_404] : memref<256x64xf32, #tpu.memory_space<vmem>> -> memref<128x64xf32, #tpu.memory_space<vmem>>
        %dma_start3A_406 = tpu.memref_slice %arg5[%add3A_397] : memref<13312xi32, #tpu.memory_space<vmem>> -> memref<128xi32, #tpu.memory_space<vmem>>
        %dma_start3A_407 = arith.constant 0 : i32
        %dma_start3A_408 = arith.constant 0 : i32
        %dma_start3A_409 = tpu.memref_slice %arg3[%dma_start3A_407, %dma_start3A_408] : memref<1000000x64xf32, #tpu.memory_space<hbm>> -> memref<1000000x64xf32, #tpu.memory_space<hbm>>
        tpu.enqueue_indirect_dma source(%dma_start3A_409 : memref<1000000x64xf32, #tpu.memory_space<hbm>>) target(%dma_start3A_405 : memref<128x64xf32, #tpu.memory_space<vmem>>) offsets(%dma_start3A_406 : memref<128xi32, #tpu.memory_space<vmem>>) semaphore(%arg9 : memref<!tpu.dma_semaphore, #tpu.memory_space<semaphore_mem>>)
      } else {
      }
    }
    %scan3A_110 = arith.constant 13 : i32
    %dma_wait3A = arith.constant 3 : i32
    %dma_wait3A_111 = arith.constant 0 : i32
    %dma_wait3A_112 = arith.constant 0 : i32
    %dma_wait3A_113 = tpu.memref_slice %arg6[%dma_wait3A, %dma_wait3A_111, %dma_wait3A_112] : memref<4x256x64xf32, #tpu.memory_space<vmem>> -> memref<1x256x64xf32, #tpu.memory_space<vmem>>
    %dma_wait3A_114 = tpu.memref_squeeze %dma_wait3A_113 : memref<1x256x64xf32, #tpu.memory_space<vmem>> -> memref<256x64xf32, #tpu.memory_space<vmem>>
    %dma_wait3A_115 = arith.constant 0 : i32
    %dma_wait3A_116 = tpu.memref_slice %arg4[%mul3A_2, %dma_wait3A_115] : memref<425984x64xf32, #tpu.memory_space<hbm>> -> memref<256x64xf32, #tpu.memory_space<hbm>>
    %dma_wait3A_117 = arith.constant 0 : i32
    %dma_wait3A_118 = tpu.memref_slice %arg4[%mul3A_2, %dma_wait3A_117] : memref<425984x64xf32, #tpu.memory_space<hbm>> -> memref<256x64xf32, #tpu.memory_space<hbm>>
    %dma_wait3A_119 = arith.constant 0 : i32
    %dma_wait3A_120 = arith.constant 0 : i32
    %dma_wait3A_121 = tpu.memref_slice %arg6[%dma_wait3A, %dma_wait3A_119, %dma_wait3A_120] : memref<4x256x64xf32, #tpu.memory_space<vmem>> -> memref<1x256x64xf32, #tpu.memory_space<vmem>>
    %dma_wait3A_122 = tpu.memref_squeeze %dma_wait3A_121 : memref<1x256x64xf32, #tpu.memory_space<vmem>> -> memref<256x64xf32, #tpu.memory_space<vmem>>
    tpu.wait_dma2 semaphore(%arg14 : memref<!tpu.dma_semaphore, #tpu.memory_space<semaphore_mem>>) src(%dma_wait3A_122 : memref<256x64xf32, #tpu.memory_space<vmem>>) dst(%dma_wait3A_118 : memref<256x64xf32, #tpu.memory_space<hbm>>)
    return
  }
}

</mosaic_0001>

<sc_bundles>
// kernel: kernel.3.cloned.1.call-start
scs
__scs_entry_jumppad:
0x0: {  	(pc) =	sbr.rel $0x88, $3  }
0x1: {  	(tag) =	ssettag $0x0;
	lr =	simm.s32 $0x1  }
0x2: {  	[smem:$0x3F9F] =	sst lr;
	_ =	strace $0xD0000000  }
0x3: {  	_ = 	snop  }
0x4: {  	_ = 	snop  }
0x5: {  	_ = 	snop  }
0x6: {  	_ = 	snop  }
0x7: {  	_ = 	snop  }
__scs_overlays_trampoline_lowered:
0x8: {  	[smem:$0x3FAE] =	sst s0  }
0x9: {  	[smem:$0x3FAF] =	sst s1  }
0xa: {  	[smem:$0x3FB0] =	sst s2  }
0xb: {  	[smem:$0x3FB1] =	sst s3  }
0xc: {  	[smem:$0x3FB2] =	sst s4  }
0xd: {  	[smem:$0x3FB3] =	sst s5  }
0xe: {  	[smem:$0x3FB4] =	sst s6  }
0xf: {  	[smem:$0x3FB5] =	sst s7  }
0x10: {  	[smem:$0x3FB6] =	sst s8  }
0x11: {  	[smem:$0x3FB7] =	sst s9;
	s0 =	simm.s32 @!p0 $0x0  }
0x12: {  	s1 =	sld [smem:$0x3F9D];
	s0 =	simm.s32 @p0 $0x1  }
0x13: {  	[smem:$0x3FB8] =	sst s0;
	s0 =	simm.s32 @!p1 $0x0  }
0x14: {  	s2 =	sld [smem:$0x3F9C];
	s0 =	simm.s32 @p1 $0x1  }
0x15: {  	[smem:$0x3FB9] =	sst s0;
	s0 =	simm.s32 @!p2 $0x0  }
0x16: {  	s3 =	sld [smem:$0x3FDB];
	s0 =	simm.s32 @p2 $0x1  }
0x17: {  	s4 =	simm.s32 $0x1BF5;
	[smem:$0x3FBB] =	sst s0  }
0x18: {  	s0 =	sld [smem:$0x3F9E];
	_ =	swait.ge [sflag:s4], $0x0  }
0x19: {  	s7 =	sld [smem:$0x3F9F]  }
0x1a: {  	s8 =	sadd.s32 $0xFFFFE003, lr  }
0x1b: {  	s9 =	sadd.s32 $0xFFFFFEF7, lr;
	s5 =	simm.s32 $0xFFFFFFFF;
	p2 =	slt.u32 s8, $0xFFFFF086  }
0x1c: {  	p1 =	slt.u32 s9, $0xF7A;
	s5 =	simm.s32 @!p2 $0x0  }
0x1d: {  	s5 =	simm.s32 @p1 $0x1;
	p0 =	seq.s32 s7, s2  }
0x1e: {  	s7 =	smul.u32 @!p0 $0xF7A, s2;
	p2 =	seq.s32 @!p0 s5, $0x0  }
0x1f: {  	s9 =	smul.u32 $0xF7A, s1;
	s8 =	simm.s32 @!p0 $0x1BF5;
	p2 =	por !p2, p0  }
0x20: {  	[sflag:s8] =	ssyncset.s32 @!p0 $0xFFFFF086;
	s6 =	sadd.s32 @!p0 s3, s7;
	s7 =	simm.s32 @!p0 $0x108  }
0x21: {  	s3 =	sadd.s32 s3, s9;
	s6 =	sadd.s32 @!p0 $0x88, s6;
	s7 =	simm.s32 @p2 $0x1082  }
0x22: {  	[simem:s7], [sflag:s8] =	dma.local @!p0 [hbm:s6], $0xF7A  }
0x23: {  	s9 =	sor.u32 $0xD0000000, s2;
	s6 =	simm.s32 $0x108;
	_ =	swait.ge @!p0 [sflag:s8], $0x0  }
0x24: {  	s3 =	sadd.s32 $0x88, s3;
	s6 =	simm.s32 @!p1 $0x1082;
	[sflag:s4] =	ssyncset.s32 $0xFFFFF086  }
0x25: {  	[simem:s6], [sflag:s4] =	dma.local [hbm:s3], $0xF7A  }
0x26: {  	[smem:$0x3F9F] =	sst s1;
	(tag) =	ssettag s2;
	_ =	strace s9  }
0x27: {  	s1 =	sld [smem:$0x3FAF]  }
0x28: {  	s2 =	sld [smem:$0x3FB0]  }
0x29: {  	s4 =	sld [smem:$0x3FB2]  }
0x2a: {  	p0 =	seq.s32 s5, $0x0;
	s5 =	sld [smem:$0x3FB3]  }
0x2b: {  	s6 =	sld [smem:$0x3FB4]  }
0x2c: {  	s7 =	sld [smem:$0x3FB5]  }
0x2d: {  	s3 =	simm.s32 $0x108;
	s8 =	sld [smem:$0x3FB6]  }
0x2e: {  	s3 =	simm.s32 @!p0 $0x1082;
	s9 =	sld [smem:$0x3FB7]  }
0x2f: {  	lr =	sadd.s32 s0, s3;
	s0 =	sld [smem:$0x3FAE]  }
0x30: {  	s3 =	sld [smem:$0x3FB1]  }
0x31: {  	[smem:$0x3FBA] =	sst s10  }
0x32: {  	s10 =	sld [smem:$0x3FB8];
	_ =	sdelay $0x3  }
0x33: {  	p0 =	seq.s32 s10, $0x1;
	s10 =	sld [smem:$0x3FBA];
	_ =	sdelay $0x3  }
0x34: {  	[smem:$0x3FBA] =	sst s10  }
0x35: {  	s10 =	sld [smem:$0x3FB9];
	_ =	sdelay $0x3  }
0x36: {  	p1 =	seq.s32 s10, $0x1;
	s10 =	sld [smem:$0x3FBA];
	_ =	sdelay $0x3  }
0x37: {  	[smem:$0x3FBA] =	sst s10  }
0x38: {  	s10 =	sld [smem:$0x3FBB]  }
0x39: {  	_ = 	snop;
	(pc) =	sbr.ind lr, $3  }
0x3a: {  	_ = 	snop  }
0x3b: {  	_ = 	snop  }
0x3c: {  	p2 =	seq.s32 s10, $0x1;
	s10 =	sld [smem:$0x3FBA]  }
0x3d: {  	_ =	shalt  }
0x3e: {  	_ =	shalt  }
0x3f: {  	_ =	shalt  }
0x40: {  	_ =	shalt  }
0x41: {  	_ =	shalt  }
0x42: {  	_ =	shalt  }
0x43: {  	_ =	shalt  }
0x44: {  	_ =	shalt  }
0x45: {  	_ =	shalt  }
0x46: {  	_ =	shalt  }
0x47: {  	_ =	shalt  }
0x48: {  	_ =	shalt  }
0x49: {  	_ =	shalt  }
0x4a: {  	_ =	shalt  }
0x4b: {  	_ =	shalt  }
0x4c: {  	_ =	shalt  }
0x4d: {  	_ =	shalt  }
0x4e: {  	_ =	shalt  }
0x4f: {  	_ =	shalt  }
0x50: {  	_ =	shalt  }
0x51: {  	_ =	shalt  }
0x52: {  	_ =	shalt  }
0x53: {  	_ =	shalt  }
0x54: {  	_ =	shalt  }
0x55: {  	_ =	shalt  }
0x56: {  	_ =	shalt  }
0x57: {  	_ =	shalt  }
0x58: {  	_ =	shalt  }
0x59: {  	_ =	shalt  }
0x5a: {  	_ =	shalt  }
0x5b: {  	_ =	shalt  }
0x5c: {  	_ =	shalt  }
0x5d: {  	_ =	shalt  }
0x5e: {  	_ =	shalt  }
0x5f: {  	_ =	shalt  }
0x60: {  	_ =	shalt  }
0x61: {  	_ =	shalt  }
0x62: {  	_ =	shalt  }
0x63: {  	_ =	shalt  }
0x64: {  	_ =	shalt  }
0x65: {  	_ =	shalt  }
0x66: {  	_ =	shalt  }
0x67: {  	_ =	shalt  }
0x68: {  	_ =	shalt  }
0x69: {  	_ =	shalt  }
0x6a: {  	_ =	shalt  }
0x6b: {  	_ =	shalt  }
0x6c: {  	_ =	shalt  }
0x6d: {  	_ =	shalt  }
0x6e: {  	_ =	shalt  }
0x6f: {  	_ =	shalt  }
0x70: {  	_ =	shalt  }
0x71: {  	_ =	shalt  }
0x72: {  	_ =	shalt  }
0x73: {  	_ =	shalt  }
0x74: {  	_ =	shalt  }
0x75: {  	_ =	shalt  }
0x76: {  	_ =	shalt  }
0x77: {  	_ =	shalt  }
0x78: {  	_ =	shalt  }
0x79: {  	_ =	shalt  }
0x7a: {  	_ =	shalt  }
0x7b: {  	_ =	shalt  }
0x7c: {  	_ =	shalt  }
0x7d: {  	_ =	shalt  }
0x7e: {  	_ =	shalt  }
0x7f: {  	_ =	shalt  }
0x80: {  	_ =	shalt  }
0x81: {  	_ =	shalt  }
0x82: {  	_ =	shalt  }
0x83: {  	_ =	shalt  }
0x84: {  	_ =	shalt  }
0x85: {  	_ =	shalt  }
0x86: {  	_ =	shalt  }
0x87: {  	_ =	shalt  }
.Lfunc_end0:
.L_simem_size_0:
called_computation.1_lowered:
.L_overlay_start_0:
0x88: {  	s2 =	sld [smem:$0x3FD9]  }
0x89: {  	s3 =	sld [smem:$0x3FFE];
	_ =	sdelay $0x1  }
0x8a: {  	s1 =	srdreg.scid  }
0x8b: {  	s0 =	sand.u32 $0x1, s1  }
0x8c: {  	s17 =	sshll.u32 s0, $0xA;
	s2 =	sadd.s32 s3, s2  }
0x8d: {  	s2 =	sadd.s32 s2, s17  }
0x8e: {  	[smem:$0x3FC6] =	sst s2  }
0x8f: {  	_ = 	snop  }
0x90: {  	s2 =	sld [smem:$0x3FD0];
	(tm) =	ssettm $0x1  }
0x91: {  	s18 =	sld [smem:$0x3FFB];
	_ =	sdelay $0x3  }
0x92: {  	_ =	strace s18  }
0x93: {  	s3 =	sld [smem:$0x3FFC];
	_ =	sdelay $0x3  }
0x94: {  	_ =	strace s3  }
0x95: {  	s3 =	sld [smem:$0x3FFD];
	_ =	sdelay $0x3  }
0x96: {  	_ =	strace s3  }
0x97: {  	_ =	strace $0x8FFFFFFF  }
0x98: {  	s19 =	sld [smem:$0x3FDB];
	_ =	sdelay $0x1  }
0x99: {  	s4 =	simm.s32 $_scs_section_size  }
0x9a: {  	s5 =	simm.s32 $_size__tile_overlayer_lowered;
	s6 =	simm.s32 $_tile_overlayer_lowered  }
0x9b: {  	s22 =	simm.s32 $0x1BFF;
	s21 =	sshll.u32 s6, $0x1;
	s3 =	sadd.s32 s4, s19  }
0x9c: {  	s7 =	simm.s32 $0x0;
	s20 =	sshll.u32 s5, $0x1;
	s5 =	sadd.s32 s21, s3  }
0x9d: {  	[timem:s7], [sflag:s22] =	dma.local [hbm:s5], s20  }
0x9e: {  	_ =	swait.ge [sflag:s22], s20  }
0x9f: {  	s4 =	ssub.s32 $0x0, s20;
	[sflag:s22] =	ssyncset.done $0x0  }
0xa0: {  	[sflag:s22] =	ssyncadd.s32 s4;
	_ =	sdelay $0x1  }
0xa1: {  	s23 =	simm.s32 $0x1B8B  }
0xa2: {  	_ =	swait.ge [sflag:s23], $0x1  }
0xa3: {  	[sflag:s23] =	ssyncset.done $0x0  }
0xa4: {  	s25 =	simm.s32 $0x1B8E;
	s24 =	sld [smem:$0x3FFE];
	[sflag:s23] =	ssyncadd.s32 $0xFFFFFFFF  }
0xa5: {  	s26 =	simm.s32 $execute0_lowered;
	[smem:$0x3FD2] =	sst s25  }
0xa6: {  	s5 =	sshll.u32 s26, $0x1;
	_ =	strace $0x80000046;
	[dreg:$0x1] =	wrdreg $0xFFFFFFFF  }
0xa7: {  	s28 =	simm.s32 $_size_execute0_lowered;
	s3 =	sadd.s32 s3, s5;
	[dreg:$0x0] =	wrdreg $0x0  }
0xa8: {  	s5 =	sshll.u32 s28, $0x1;
	[dreg:$0x2] =	wrdreg s3  }
0xa9: {  	[dreg:$0x3] =	wrdreg s5  }
0xaa: {  	[dreg:$0x4] =	wrdreg $0xC0  }
0xab: {  	_ =	task [dreg:s7], $0x5FFFF  }
0xac: {  	[dreg:$0x1] =	wrdreg $0xFFFFFFFF  }
0xad: {  	[dreg:$0x0] =	wrdreg $0x60  }
0xae: {  	[dreg:$0x2] =	wrdreg s24  }
0xaf: {  	[dreg:$0x3] =	wrdreg s2  }
0xb0: {  	[dreg:$0x4] =	wrdreg $0x9  }
0xb1: {  	_ =	task.clear_ibuf [dreg:s7], $0x5FFFF;
	_ =	strace $0x90000046  }
0xb2: {  	s29 =	simm.s32 $0x9;
	_ =	strace $0x80000048  }
0xb3: {  	_ =	swait.ge [sflag:s29], $0x1  }
0xb4: {  	[sflag:s29] =	ssyncadd.s32 $0xFFFFFFFF  }
0xb5: {  	_ =	strace $0x90000048  }
0xb6: {  	_ =	sfence  }
0xb7: {  	s30 =	sld [smem:$0x0];
	_ =	sdelay $0x2  }
0xb8: {  	s31 =	sshll.u32 s1, $0xD;
	s1 =	sshrl.u32 s1, $0x2  }
0xb9: {  	s3 =	sand.u32 $0x4000, s31;
	s1 =	sadd.s32 s1, s30  }
0xba: {  	s0 =	sor.u32 s3, s0;
	s1 =	sshll.u32 s1, $0x11  }
0xbb: {  	s0 =	sor.u32 s1, s0  }
0xbc: {  	s0 =	sadd.s32 $0x8F2B, s0  }
0xbd: {  	[sflag:s0] =	ssyncadd.remote.s32 $0x1  }
0xbe: {  	_ =	sfence.sel $0xFFFF  }
0xbf: {  	[dreg:$0x0] =	wrdreg $0xFFFFFFFF;
	(pc) =	sbr.abs _section_cstart, $3  }
0xc0: {  	[dreg:$0x1] =	wrdreg $0xFFFFFFFF  }
0xc1: {  	_ =	task.clear_ibuf [dreg:s7], $0x2FFFF;
	_ =	strace $0x9FFFFFFF  }
0xc2: {  	(tm) =	ssettm $0x7FFFFFFF  }
0xc3: {  	_ =	shalt  }
tec
execute0_lowered:
.L_overlay_start_1:
0x0: {  	(tag) =	ssettag $0x1  }
0x1: {  	s0 =	srdreg.scid;
	s1 =	rddreg [dreg:$0x0]  }
0x2: {  	s4 =	stileid.u32;
	s6 =	rddreg [dreg:$0x1];
	s10 =	simm.s32 $0x9  }
0x3: {  	s11 =	simm.s32 $0x80;
	s12 =	simm.s32 $0x3400;
	s15 =	simm.s32 $0x7400  }
0x4: {  	s19 =	simm.s32 $0xB400;
	s21 =	simm.s32 $0xD400;
	s28 =	simm.s32 $0x2  }
0x5: {  	s29 =	simm.s32 $0x5;
	s30 =	simm.s32 $0x3;
	s7 =	smul.u32 $0x1A0000, s4  }
0x6: {  	s0 =	sand.u32 $0x1, s0;
	s2 =	sshll.u32 s4, $0x1;
	s5 =	smul.u32 $0x6800, s4  }
0x7: {  	s31 =	simm.s32 $0x6;
	s3 =	sor.u32 s0, s2;
	s9 =	smul.u32 $0x3400, s0  }
0x8: {  	s2 =	simm.s32 $0x0;
	s8 =	ssub.s32 $0x2, s0;
	s0 =	smul.u32 $0xD0000, s0  }
0x9: {  	s13 =	simm.s32 $0x8;
	s3 =	smul.u32 $0x3400, s3;
	[smem:$0x7FF] =	sst s2  }
0xa: {  	s14 =	simm.s32 $0x0;
	s24 =	sshrl.u32 s8, $0x1;
	_ =	strace $0x80000047  }
0xb: {  	s25 =	sadd.s32 s9, s5;
	s0 =	sadd.s32 s0, s7;
	s3 =	sshrl.u32 s3, $0x3  }
0xc: {  	s26 =	sshll.u32 s25, $0x3;
	s7 =	sshrl.u32 s0, $0x3;
	s0 =	sor.u32 $0xC000, s0  }
0xd: {  	s23 =	sadd.s32 s3, s1;
	s3 =	sadd.s32 $0xF42E00, s1;
	s1 =	ssub.s32 s8, s24  }
.Ltmp0:
0xe: {  	s22 =	sadd.s32 s7, s6;
	s0 =	sshrl.u32 s0, $0x3;
	(pc) =	sbr.rel .LBB2_1-.Ltmp0, $4  }
0xf: {  	s4 =	sadd.s32 $0xA00, s23;
	s1 =	smax.u32 s1, $0x1;
	s16 =	sadd.s32 s0, s6  }
0x10: {  	s23 =	simm.s32 $0xF400;
	s0 =	simm.s32 $0x7;
	[dreg:$0x3] =	wrdreg s4  }
0x11: {  	[dreg:$0x4] =	wrdreg s1;
	s1 =	sadd.s32 s26, s6;
	s26 =	simm.s32 $0x1  }
0x12: {  	s18 =	sadd.s32 $0x1000, s1;
	s17 =	sadd.s32 $0x800, s1;
	s1 =	simm.s32 $0x4  }
.LBB2_4:
0x13: {  	_ =	swait.ge [sflag:s13], $0x4000  }
0x14: {  	s14 =	sadd.s32 $0x1, s14;
	s4 =	rddreg [dreg:$0x4]  }
0x15: {  	p0 =	sne.s32 s14, s4  }
.Ltmp1:
0x16: {  	_ = 	snop;
	(pc) =	sbr.rel @!p0 .LBB2_5-.Ltmp1, $3  }
0x17: {  	_ =	sdelay $0x1  }
0x18: {  	[sflag:s13] =	ssyncset.done $0x0  }
0x19: {  	[sflag:s13] =	ssyncadd.s32 $0xFFFFC000  }
.LBB2_1:
0x1a: {  	s4 =	rddreg [dreg:$0x3]  }
0x1b: {  	[tilespmem:s2], [sflag:$0x9] =	stream.linear.gather [hbm4b:s4+s2], $0x3400, $0x38;
	[tilespmem:$0x13400] =	vst v63  }
0x1c: {  	_ =	swait.ge [sflag:s10], $0x3400  }
0x1d: {  	[sflag:s10] =	ssyncset.done $0x0  }
0x1e: {  	[sflag:s10] =	ssyncadd.s32 $0xFFFFCC00  }
0x1f: {  	[tilespmem:s12], [sflag:$0x1] =	stream.indirect.gather [hbm4b:s3+s11], $0x40, s2, s11, $0xb8;
	[tilespmem:$0x13400] =	vst v63  }
0x20: {  	s5 =	simm.s32 $0x5400  }
0x21: {  	[tilespmem:s5], [sflag:$0x1] =	stream.indirect.gather [hbm4b:s3+s11], $0x40, s11, s11, $0xb8;
	[tilespmem:$0x13400] =	vst v63  }
0x22: {  	s6 =	simm.s32 $0x100  }
0x23: {  	[tilespmem:s15], [sflag:$0x2] =	stream.indirect.gather [hbm4b:s3+s11], $0x40, s6, s11, $0xb8;
	[tilespmem:$0x13400] =	vst v63  }
0x24: {  	s7 =	simm.s32 $0x180;
	s5 =	simm.s32 $0x9400  }
0x25: {  	[tilespmem:s5], [sflag:$0x2] =	stream.indirect.gather [hbm4b:s3+s11], $0x40, s7, s11, $0xb8;
	[tilespmem:$0x13400] =	vst v63  }
0x26: {  	s8 =	simm.s32 $0x200  }
0x27: {  	[tilespmem:s19], [sflag:$0x3] =	stream.indirect.gather [hbm4b:s3+s11], $0x40, s8, s11, $0xb8;
	[tilespmem:$0x13400] =	vst v63  }
0x28: {  	s9 =	simm.s32 $0x280;
	s20 =	simm.s32 $0x300;
	s24 =	simm.s32 $0x380  }
0x29: {  	[tilespmem:s21], [sflag:$0x3] =	stream.indirect.gather [hbm4b:s3+s11], $0x40, s9, s11, $0xb8;
	[tilespmem:$0x13400] =	vst v63  }
0x2a: {  	s25 =	simm.s32 $0x11400;
	s6 =	smov.u32 s22;
	s7 =	smov.u32 s18  }
0x2b: {  	[tilespmem:s23], [sflag:$0x4] =	stream.indirect.gather [hbm4b:s3+s11], $0x40, s20, s11, $0xb8;
	[tilespmem:$0x13400] =	vst v63  }
0x2c: {  	s8 =	smov.u32 s17;
	s9 =	smov.u32 s16;
	s20 =	simm.s32 $0x0  }
0x2d: {  	[tilespmem:s25], [sflag:$0x4] =	stream.indirect.gather [hbm4b:s3+s11], $0x40, s24, s11, $0xb8;
	[tilespmem:$0x13400] =	vst v63  }
.LBB2_2:
0x2e: {  	_ =	swait.ge [sflag:s26], $0x2000  }
0x2f: {  	[sflag:s26] =	ssyncset.done $0x0  }
0x30: {  	[sflag:s26] =	ssyncadd.s32 $0xFFFFE000  }
0x31: {  	_ =	swait.ge [sflag:s26], $0x2000  }
0x32: {  	p0 =	seq.s32 s20, $0x0;
	[sflag:s26] =	ssyncset.done $0x0  }
0x33: {  	s24 =	simm.s32 @!p0 $0x8;
	[sflag:s26] =	ssyncadd.s32 $0xFFFFE000  }
0x34: {  	[hbm4b:s6+s2] =	stream.linear.scatter [tilespmem:s12], [sflag:$0x5], $0x4000, $0x38;
	[tilespmem:$0x13400] =	vst v63  }
0x35: {  	_ =	swait.ge @!p0 [sflag:s24], $0x4000  }
0x36: {  	[sflag:s24] =	ssyncset.done @!p0 $0x0  }
0x37: {  	[sflag:s24] =	ssyncadd.s32 @!p0 $0xFFFFC000;
	s24 =	sshra.s32 @!p0 s20, $0x2  }
0x38: {  	s4 =	simm.s32 @!p0 $0x80;
	s5 =	simm.s32 @!p0 $0xF400;
	s25 =	sadd.s32 @!p0 $0x300, s24  }
0x39: {  	[tilespmem:s5], [sflag:$0x4] =	stream.indirect.gather @!p0 [hbm4b:s3+s4], $0x40, s25, s4, $0xb8;
	[tilespmem:$0x13400] =	vst v63  }
0x3a: {  	s5 =	sadd.s32 @!p0 $0x380, s24;
	s24 =	simm.s32 @!p0 $0x11400  }
0x3b: {  	[tilespmem:s24], [sflag:$0x4] =	stream.indirect.gather @!p0 [hbm4b:s3+s4], $0x40, s5, s4, $0xb8;
	[tilespmem:$0x13400] =	vst v63  }
0x3c: {  	_ =	swait.ge [sflag:s28], $0x2000  }
0x3d: {  	[sflag:s28] =	ssyncset.done $0x0  }
0x3e: {  	[sflag:s28] =	ssyncadd.s32 $0xFFFFE000  }
0x3f: {  	_ =	swait.ge [sflag:s28], $0x2000  }
0x40: {  	[sflag:s28] =	ssyncset.done $0x0  }
0x41: {  	[sflag:s28] =	ssyncadd.s32 $0xFFFFE000  }
0x42: {  	[hbm4b:s8+s2] =	stream.linear.scatter [tilespmem:s15], [sflag:$0x6], $0x4000, $0x38;
	[tilespmem:$0x13400] =	vst v63  }
0x43: {  	p0 =	seq.s32 s20, $0xC000;
	_ =	swait.ge [sflag:s29], $0x4000  }
0x44: {  	s4 =	sshra.s32 @!p0 s20, $0x2;
	s24 =	simm.s32 @!p0 $0x80;
	[sflag:s29] =	ssyncset.done $0x0  }
0x45: {  	s25 =	simm.s32 @!p0 $0x3400;
	s5 =	sadd.s32 @!p0 $0x400, s4;
	[sflag:s29] =	ssyncadd.s32 $0xFFFFC000  }
0x46: {  	[tilespmem:s25], [sflag:$0x1] =	stream.indirect.gather @!p0 [hbm4b:s3+s24], $0x40, s5, s24, $0xb8;
	[tilespmem:$0x13400] =	vst v63  }
0x47: {  	s5 =	sadd.s32 @!p0 $0x480, s4;
	s25 =	simm.s32 @!p0 $0x5400  }
0x48: {  	[tilespmem:s25], [sflag:$0x1] =	stream.indirect.gather @!p0 [hbm4b:s3+s24], $0x40, s5, s24, $0xb8;
	[tilespmem:$0x13400] =	vst v63  }
0x49: {  	_ =	swait.ge [sflag:s30], $0x2000  }
0x4a: {  	[sflag:s30] =	ssyncset.done $0x0  }
0x4b: {  	[sflag:s30] =	ssyncadd.s32 $0xFFFFE000  }
0x4c: {  	_ =	swait.ge [sflag:s30], $0x2000  }
0x4d: {  	[sflag:s30] =	ssyncset.done $0x0  }
0x4e: {  	[sflag:s30] =	ssyncadd.s32 $0xFFFFE000  }
0x4f: {  	[hbm4b:s7+s2] =	stream.linear.scatter [tilespmem:s19], [sflag:$0x7], $0x4000, $0x38;
	[tilespmem:$0x13400] =	vst v63  }
0x50: {  	_ =	swait.ge [sflag:s31], $0x4000  }
0x51: {  	[sflag:s31] =	ssyncset.done $0x0  }
0x52: {  	s5 =	sadd.s32 @!p0 $0x500, s4;
	s25 =	simm.s32 @!p0 $0x7400;
	[sflag:s31] =	ssyncadd.s32 $0xFFFFC000  }
0x53: {  	[tilespmem:s25], [sflag:$0x2] =	stream.indirect.gather @!p0 [hbm4b:s3+s24], $0x40, s5, s24, $0xb8;
	[tilespmem:$0x13400] =	vst v63  }
0x54: {  	s4 =	sadd.s32 @!p0 $0x580, s4;
	s5 =	simm.s32 @!p0 $0x9400  }
0x55: {  	[tilespmem:s5], [sflag:$0x2] =	stream.indirect.gather @!p0 [hbm4b:s3+s24], $0x40, s4, s24, $0xb8;
	[tilespmem:$0x13400] =	vst v63  }
0x56: {  	_ =	swait.ge [sflag:s1], $0x2000  }
0x57: {  	[sflag:s1] =	ssyncset.done $0x0  }
0x58: {  	[sflag:s1] =	ssyncadd.s32 $0xFFFFE000  }
0x59: {  	_ =	swait.ge [sflag:s1], $0x2000  }
0x5a: {  	[sflag:s1] =	ssyncset.done $0x0  }
.Ltmp2:
0x5b: {  	[sflag:s1] =	ssyncadd.s32 $0xFFFFE000;
	(pc) =	sbr.rel @p0 .LBB2_4-.Ltmp2, $4  }
0x5c: {  	[hbm4b:s9+s2] =	stream.linear.scatter [tilespmem:s23], [sflag:$0x8], $0x4000, $0x38;
	[tilespmem:$0x13400] =	vst v63  }
0x5d: {  	_ =	swait.ge [sflag:s0], $0x4000  }
0x5e: {  	[sflag:s0] =	ssyncset.done $0x0  }
0x5f: {  	[sflag:s0] =	ssyncadd.s32 $0xFFFFC000  }
.Ltmp3:
0x60: {  	s4 =	sshra.s32 s20, $0x2;
	s6 =	sadd.s32 $0x2000, s6;
	(pc) =	sbr.rel .LBB2_2-.Ltmp3, $4  }
0x61: {  	s20 =	sadd.s32 $0x1000, s20;
	s7 =	sadd.s32 $0x2000, s7;
	s5 =	sadd.s32 $0x600, s4  }
0x62: {  	[tilespmem:s19], [sflag:$0x3] =	stream.indirect.gather [hbm4b:s3+s11], $0x40, s5, s11, $0xb8;
	[tilespmem:$0x13400] =	vst v63  }
0x63: {  	s8 =	sadd.s32 $0x2000, s8;
	s9 =	sadd.s32 $0x2000, s9;
	s4 =	sadd.s32 $0x680, s4  }
0x64: {  	[tilespmem:s21], [sflag:$0x3] =	stream.indirect.gather [hbm4b:s3+s11], $0x40, s4, s11, $0xb8;
	[tilespmem:$0x13400] =	vst v63  }
.LBB2_5:
0x65: {  	_ =	sfence.sel $0x180000  }
0x66: {  	[bflag:$0x0] =	sbarrier.arrive $0xFFFF  }
0x67: {  	_ =	strace $0x90000047  }
0x68: {  	s0 =	stileid.u32;
	[bflag:$0x2] =	sbarrier.arrive $0xFFFF  }
0x69: {  	p0 =	sne.s32 s0, $0x0;
	s0 =	rddreg [dreg:$0x2]  }
0x6a: {  	s0 =	sadd.s32 @!p0 $0x100000, s0  }
0x6b: {  	[sflag:s0] =	ssyncadd.tile.s32 @!p0 $0x1;
	_ =	shalt  }
.Lfunc_end2:
_tile_overlayer_lowered:
.L_overlay_start_2:
0x6c: {  	(tag) =	ssettag $0x2  }
0x6d: {  	s0 =	rddreg [dreg:$0x0];
	s2 =	stileid.u32  }
0x6e: {  	s1 =	rddreg [dreg:$0x1];
	p0 =	sne.s32 s2, $0x0  }
0x6f: {  	s3 =	rddreg [dreg:$0x2];
	[bflag:$0x3] =	sbarrier.arrive $0xFFFF;
	s2 =	simm.s32 @!p0 $0x1C09  }
0x70: {  	[timem:s3], [sflag:s2] =	dma.local @!p0 [hbm:s0], s1  }
0x71: {  	s0 =	simm.s32 @!p0 $0x9  }
0x72: {  	_ =	swait.ge @!p0 [sflag:s0], s1  }
0x73: {  	s1 =	ssub.s32 @!p0 $0x0, s1;
	[sflag:s0] =	ssyncset.done @!p0 $0x0  }
0x74: {  	[sflag:s0] =	ssyncadd.s32 @!p0 s1  }
0x75: {  	[bflag:$0x3] =	sbarrier.arrive $0xFFFF  }
0x76: {  	_ =	shalt  }

// kernel: sparse-core-data-format-call.cloned.1.call-start
scs
called_computation_lowered:
.L_overlay_start_0:
0x0: {  	s2 =	sld [smem:$0x3FD9]  }
0x1: {  	s3 =	sld [smem:$0x3FFE];
	_ =	sdelay $0x1  }
0x2: {  	s1 =	srdreg.scid  }
0x3: {  	s0 =	sand.u32 $0x1, s1  }
0x4: {  	s18 =	sshll.u32 s0, $0xA;
	s2 =	sadd.s32 s3, s2  }
0x5: {  	s2 =	sadd.s32 s2, s18  }
0x6: {  	[smem:$0x3FC6] =	sst s2  }
0x7: {  	_ = 	snop  }
0x8: {  	s2 =	sld [smem:$0x3FD0];
	(tm) =	ssettm $0x1  }
0x9: {  	s19 =	sld [smem:$0x3FFB];
	_ =	sdelay $0x3  }
0xa: {  	_ =	strace s19  }
0xb: {  	s3 =	sld [smem:$0x3FFC];
	_ =	sdelay $0x3  }
0xc: {  	_ =	strace s3  }
0xd: {  	s3 =	sld [smem:$0x3FFD];
	_ =	sdelay $0x3  }
0xe: {  	_ =	strace s3  }
0xf: {  	_ =	strace $0x8FFFFFFF  }
0x10: {  	s20 =	sld [smem:$0x3FDB];
	_ =	sdelay $0x1  }
0x11: {  	s4 =	simm.s32 $_scs_section_size  }
0x12: {  	s5 =	simm.s32 $_size__tile_overlayer_lowered;
	s6 =	simm.s32 $_tile_overlayer_lowered  }
0x13: {  	s23 =	simm.s32 $0x1BFF;
	s22 =	sshll.u32 s6, $0x1;
	s3 =	sadd.s32 s4, s20  }
0x14: {  	s7 =	simm.s32 $0x0;
	s21 =	sshll.u32 s5, $0x1;
	s5 =	sadd.s32 s22, s3  }
0x15: {  	[timem:s7], [sflag:s23] =	dma.local [hbm:s5], s21  }
0x16: {  	_ =	swait.ge [sflag:s23], s21  }
0x17: {  	s4 =	ssub.s32 $0x0, s21;
	[sflag:s23] =	ssyncset.done $0x0  }
0x18: {  	[sflag:s23] =	ssyncadd.s32 s4;
	_ =	sdelay $0x1  }
0x19: {  	s24 =	simm.s32 $0x1B8B  }
0x1a: {  	_ =	swait.ge [sflag:s24], $0x1  }
0x1b: {  	[sflag:s24] =	ssyncset.done $0x0  }
0x1c: {  	s26 =	simm.s32 $0x1B8E;
	s25 =	sld [smem:$0x3FFE];
	[sflag:s24] =	ssyncadd.s32 $0xFFFFFFFF  }
0x1d: {  	s27 =	simm.s32 $execute0_lowered;
	[smem:$0x3FD2] =	sst s26  }
0x1e: {  	s5 =	sshll.u32 s27, $0x1;
	_ =	strace $0x80000049;
	[dreg:$0x1] =	wrdreg $0xFFFFFFFF  }
0x1f: {  	s28 =	simm.s32 $_size_execute0_lowered;
	s3 =	sadd.s32 s3, s5;
	[dreg:$0x0] =	wrdreg $0x0  }
0x20: {  	s5 =	sshll.u32 s28, $0x1;
	[dreg:$0x2] =	wrdreg s3  }
0x21: {  	[dreg:$0x3] =	wrdreg s5  }
0x22: {  	[dreg:$0x4] =	wrdreg $0xC0  }
0x23: {  	_ =	task [dreg:s7], $0x5FFFF  }
0x24: {  	[dreg:$0x1] =	wrdreg $0xFFFFFFFF  }
0x25: {  	[dreg:$0x0] =	wrdreg $0x60  }
0x26: {  	[dreg:$0x2] =	wrdreg s25  }
0x27: {  	[dreg:$0x3] =	wrdreg s2  }
0x28: {  	[dreg:$0x4] =	wrdreg $0x9  }
0x29: {  	_ =	task.clear_ibuf [dreg:s7], $0x5FFFF;
	_ =	strace $0x90000049  }
0x2a: {  	s29 =	simm.s32 $0x9;
	_ =	strace $0x8000004B  }
0x2b: {  	_ =	swait.ge [sflag:s29], $0x1  }
0x2c: {  	[sflag:s29] =	ssyncadd.s32 $0xFFFFFFFF  }
0x2d: {  	_ =	strace $0x9000004B  }
0x2e: {  	_ =	sfence  }
0x2f: {  	s30 =	sld [smem:$0x0];
	_ =	sdelay $0x2  }
0x30: {  	s31 =	sshll.u32 s1, $0xD;
	s1 =	sshrl.u32 s1, $0x2  }
0x31: {  	s3 =	sand.u32 $0x4000, s31;
	s1 =	sadd.s32 s1, s30  }
0x32: {  	s0 =	sor.u32 s3, s0;
	s1 =	sshll.u32 s1, $0x11  }
0x33: {  	s0 =	sor.u32 s1, s0  }
0x34: {  	s0 =	sadd.s32 $0x8F2B, s0  }
0x35: {  	[sflag:s0] =	ssyncadd.remote.s32 $0x1  }
0x36: {  	_ =	sfence.sel $0xFFFF  }
0x37: {  	[dreg:$0x0] =	wrdreg $0xFFFFFFFF;
	(pc) =	sbr.abs _section_cstart, $3  }
0x38: {  	[dreg:$0x1] =	wrdreg $0xFFFFFFFF  }
0x39: {  	_ =	task.clear_ibuf [dreg:s7], $0x2FFFF;
	_ =	strace $0x9FFFFFFF  }
0x3a: {  	(tm) =	ssettm $0x7FFFFFFF  }
0x3b: {  	_ =	shalt  }
tec
execute0_lowered:
.L_overlay_start_1:
0x0: {  	(tag) =	ssettag $0x1  }
0x1: {  	s0 =	srdreg.scid  }
0x2: {  	s1 =	sshll.u32 s0, $0x4  }
0x3: {  	s0 =	stileid.u32;
	s1 =	sand.u32 $0x10, s1  }
0x4: {  	s1 =	sor.u32 s0, s1  }
0x5: {  	s6 =	rddreg [dreg:$0x0];
	s4 =	simm.s32 $0x1;
	s2 =	sshll.u32 s1, $0x7  }
0x6: {  	s7 =	simm.s32 $0x2;
	s12 =	simm.s32 $0x0;
	s1 =	ssub.s32 $0x4000, s2  }
0x7: {  	s8 =	simm.s32 $0x20000;
	s13 =	simm.s32 $0x0;
	s3 =	sand.u32 $0xF80, s1  }
0x8: {  	s9 =	simm.s32 $0x0;
	s5 =	sshrl.u32 s1, $0xC;
	p0 =	sne.s32 s3, $0x0  }
.Ltmp0:
0x9: {  	s1 =	rddreg [dreg:$0x2];
	s4 =	simm.s32 @!p0 $0x0;
	(pc) =	sbr.rel .LBB1_1-.Ltmp0, $4  }
0xa: {  	s11 =	simm.s32 $0x0;
	s3 =	rddreg [dreg:$0x1];
	s5 =	sadd.s32 s4, s5  }
0xb: {  	_ =	strace $0x8000004A;
	s4 =	simm.s32 $0x1;
	s5 =	smul.u32 $0x1A, s5  }
0xc: {  	s6 =	sadd.s32 $0xA00, s6;
	s10 =	smov.u32 s2;
	[sflag:s4] =	ssyncpa.u1 $0x0  }
0xd: {  	p0 =	por $0x0, $0x0;
	[sflag:s7] =	ssyncpa.u1 $0x0;
	s7 =	sor.u32 $0x1, s5  }
.LBB1_4:
0xe: {  	s16 =	sshll.u32 s13, $0x3;
	s17 =	sand.u32 $0x78, s13  }
0xf: {  	s30 =	sand.u32 $0x1F800, s13;
	s12 =	sshll.u32 s12, $0x11;
	s16 =	sand.u32 $0x3C00, s16  }
0x10: {  	[tilespmem:s15+$0x810 ss:$0x81] =	vst.msk $0xffff, v2;
	s31 =	sand.u32 $0x7, s13;
	s16 =	sor.u32 s17, s16;
	s17 =	sadd.s32 s3, s30  }
0x11: {  	[tilespmem:s15+$0x1020 ss:$0x81] =	vst.msk $0xffff, v0;
	s13 =	sshll.u32 s31, $0x12;
	s12 =	sadd.s32 s12, s17;
	s16 =	sshrl.u32 s16, $0x3  }
0x12: {  	[tilespmem:s15+$0x0 ss:$0x81] =	vst.msk $0xffff, v1;
	s13 =	sor.u32 $0x400, s13;
	s12 =	sadd.s32 s16, s12  }
0x13: {  	[hbm4b:s12+s13] =	stream.strided.scatter [tilespmem:s14], [sflag:$0x2], $0x2000, s8, s13, $0x20;
	[tilespmem:$0x8080] =	vst v63  }
.LBB1_5:
0x14: {  	s14 =	sadd.s32 $0x1, s9  }
0x15: {  	s12 =	sadd.s32 $0x1000, s10;
	s16 =	smov.u32 s10;
	p2 =	sgt.s32 s14, $0x19  }
0x16: {  	s16 =	smov.u32 @p2 s12  }
0x17: {  	s14 =	simm.s32 @p2 $0x0;
	p2 =	sgt.s32 s16, $0x3FFF  }
0x18: {  	s16 =	smov.u32 @p2 s2;
	p2 =	sne.s32 s11, s7  }
.Ltmp1:
0x19: {  	p1 =	slt.u32 s11, $0x2;
	(pc) =	sbr.rel @!p2 .LBB1_6-.Ltmp1, $4  }
0x1a: {  	s15 =	simm.s32 @!p1 $0x2  }
0x1b: {  	s13 =	smov.u32 s10;
	p0 =	por !p0, !p0;
	_ =	swait.ge @!p1 [sflag:s15], $0x2000  }
0x1c: {  	s12 =	smov.u32 s9;
	[sflag:s15] =	ssyncset.done @!p1 $0x0;
	s9 =	smov.u32 s14  }
0x1d: {  	s11 =	sadd.s32 $0x1, s11;
	[sflag:s15] =	ssyncadd.s32 @!p1 $0xFFFFE000;
	s10 =	smov.u32 s16  }
.LBB1_1:
0x1e: {  	p1 =	sge.u32 s11, s5  }
0x1f: {  	s31 =	sadd.s32 $0xFFFFFFFF, s11;
	s14 =	sxor.u32 @!p1 $0xFFFFFFFF, s11  }
0x20: {  	s15 =	sshll.u32 @!p1 s10, $0x9;
	s16 =	sshll.u32 @!p1 s9, $0x4;
	s17 =	simm.s32 @!p1 $0x1000  }
0x21: {  	s14 =	sshll.u32 @!p1 s14, $0xD;
	s16 =	sand.u32 @!p1 $0x1F0, s16;
	s15 =	sadd.s32 @!p1 s6, s15  }
0x22: {  	s14 =	sand.u32 @!p1 $0x2000, s14;
	s15 =	sadd.s32 @!p1 s16, s15;
	s16 =	simm.s32 @!p1 $0x40  }
0x23: {  	[tilespmem:s14], [sflag:$0x1] =	stream.strided.gather @!p1 [hbm4b:s15+s16], $0x2000, s17, s16, $0x38;
	[tilespmem:$0x8080] =	vst v63  }
0x24: {  	p1 =	sge.u32 s31, s5  }
.Ltmp2:
0x25: {  	_ = 	snop;
	(pc) =	sbr.rel @p1 .LBB1_5-.Ltmp2, $1  }
0x26: {  	_ =	sdelay $0x3  }
0x27: {  	s14 =	simm.s32 $0x1  }
0x28: {  	_ =	swait.ge [sflag:s4], $0x2000;
	s14 =	simm.s32 @!p0 $0x0  }
0x29: {  	[sflag:s4] =	ssyncset.done $0x0;
	s15 =	sshll.u32 s14, $0xD  }
0x2a: {  	[sflag:s4] =	ssyncadd.s32 $0xFFFFE000;
	s18 =	sor.u32 $0x20, s15  }
0x2b: {  	s14 =	smul.u32 $0x8100, s14;
	v3 =	vld [tilespmem:s18+$0x10]  }
0x2c: {  	s30 =	sand.u32 $0x1, s11;
	v2 =	vld [tilespmem:s18+$0xFFFFFFF0]  }
0x2d: {  	s15 =	smul.u32 $0x8100, s30;
	s14 =	sshrl.u32 s14, $0x2;
	v0 =	vld [tilespmem:s18+$0x0]  }
0x2e: {  	v1 =	vld [tilespmem:s18+$0xFFFFFFE0];
	s16 =	sor.u32 $0x4000, s14  }
0x2f: {  	s31 =	sshrl.u32 s15, $0x2;
	s15 =	sadd.s32 $0x0, s16  }
0x30: {  	s17 =	simm.s32 $0x4;
	s18 =	sadd.s32 $0x40, s18;
	s14 =	sor.u32 $0x4000, s31;
	[tilespmem:s15+$0x1830 ss:$0x81] =	vst.msk $0xffff, v3  }
.LBB1_3:
0x31: {  	v3 =	vld [tilespmem:s18+$0x10];
	p1 =	sne.s32 s17, $0x1FC;
	[tilespmem:s15+$0x810 ss:$0x81] =	vst.msk $0xffff, v2;
	s19 =	smov.u32 s17;
	s17 =	sadd.s32 $0x4, s17  }
.Ltmp3:
0x32: {  	v2 =	vld [tilespmem:s18+$0xFFFFFFF0];
	[tilespmem:s15+$0x1020 ss:$0x81] =	vst.msk $0xffff, v0;
	(pc) =	sbr.rel @p1 .LBB1_3-.Ltmp3, $4  }
0x33: {  	v0 =	vld [tilespmem:s18+$0x0];
	[tilespmem:s15+$0x0 ss:$0x81] =	vst.msk $0xffff, v1  }
0x34: {  	s15 =	sshra.s32 s19, $0x2;
	v1 =	vld [tilespmem:s18+$0xFFFFFFE0]  }
0x35: {  	s15 =	sadd.s32 s15, s16  }
0x36: {  	s18 =	sadd.s32 $0x40, s18;
	[tilespmem:s15+$0x1830 ss:$0x81] =	vst.msk $0xffff, v3  }
.Ltmp4:
0x37: {  	_ = 	snop;
	(pc) =	sbr.rel .LBB1_4-.Ltmp4, $1  }
0x38: {  	_ =	sdelay $0x3  }
.LBB1_6:
0x39: {  	_ =	sfence.sel $0x180000  }
0x3a: {  	s2 =	simm.s32 $0x1;
	[bflag:$0x0] =	sbarrier.arrive $0xFFFF  }
0x3b: {  	s31 =	simm.s32 $0x2;
	[sflag:s2] =	ssyncpa.u1 $0x1  }
0x3c: {  	[sflag:s31] =	ssyncpa.u1 $0x1  }
0x3d: {  	p0 =	sne.s32 s0, $0x0;
	_ =	strace $0x9000004A  }
0x3e: {  	s0 =	sadd.s32 @!p0 $0x100000, s1;
	[bflag:$0x2] =	sbarrier.arrive $0xFFFF  }
0x3f: {  	[sflag:s0] =	ssyncadd.tile.s32 @!p0 $0x1;
	_ =	shalt  }
.Lfunc_end1:
_tile_overlayer_lowered:
.L_overlay_start_2:
0x40: {  	(tag) =	ssettag $0x2  }
0x41: {  	s0 =	rddreg [dreg:$0x0];
	s2 =	stileid.u32  }
0x42: {  	s1 =	rddreg [dreg:$0x1];
	p0 =	sne.s32 s2, $0x0  }
0x43: {  	s3 =	rddreg [dreg:$0x2];
	[bflag:$0x3] =	sbarrier.arrive $0xFFFF;
	s2 =	simm.s32 @!p0 $0x1C01  }
0x44: {  	[timem:s3], [sflag:s2] =	dma.local @!p0 [hbm:s0], s1  }
0x45: {  	s0 =	simm.s32 @!p0 $0x1  }
0x46: {  	_ =	swait.ge @!p0 [sflag:s0], s1  }
0x47: {  	s1 =	ssub.s32 @!p0 $0x0, s1;
	[sflag:s0] =	ssyncset.done @!p0 $0x0  }
0x48: {  	[sflag:s0] =	ssyncadd.s32 @!p0 s1  }
0x49: {  	[bflag:$0x3] =	sbarrier.arrive $0xFFFF  }
0x4a: {  	_ =	shalt  }

</sc_bundles>
